<compile_context>
chip_gen: v7x
topology: tpu7x:2x2x1
jax: 0.10.2.dev20260603
libtpu: 0.0.44.dev20260713+nightly
codegen_flags: <defaults>
</compile_context>

<pallas_src>
import functools

import numpy as np
import jax
import jax.numpy as jnp
from jax import lax
from jax.experimental import pallas as pl
from jax.experimental.pallas import tpu as pltpu
from jax.experimental.pallas import tpu_sc as plsc

_BATCH, _BLOCKS, _HEADS, _SIZE = 16, 4096, 16, 7
_WIN = _SIZE * _SIZE
_POS = 2 * _SIZE - 1
_PP = _POS * _POS
_ROW = _HEADS * _WIN


def _coord_table(blocks, size):
    height = int(np.sqrt(float(blocks)))
    width = blocks // height
    pos_size = 2 * size - 1
    idx = np.arange(size)
    coords = (idx[:, None] * pos_size + idx).reshape(-1)
    bias_hh = np.concatenate(
        [idx[:size // 2], np.repeat(idx[size // 2], height - size + 1), idx[size // 2 + 1:]])
    bias_ww = np.concatenate(
        [idx[:size // 2], np.repeat(idx[size // 2], width - size + 1), idx[size // 2 + 1:]])
    bias_hw = bias_hh[:, None] * pos_size + bias_ww
    bc = (bias_hw[..., None] + coords).reshape(-1, size * size)[::-1]
    return np.ascontiguousarray(bc).astype(np.int32)


_BC = _coord_table(_BLOCKS, _SIZE)
_UC, _INV = np.unique(_BC, axis=0, return_inverse=True)
_U = int(_UC.shape[0])

_UIDX = (np.arange(_HEADS, dtype=np.int64)[None, :, None] * _PP
         + _UC.T[:, None, :].astype(np.int64)).reshape(_ROW * _U).astype(np.int32)

_OHT = np.eye(_U, dtype=np.float32)[_INV].T.copy()

_LANES = 16
_NW = 32
_NVEC = -(-(_U * _ROW) // _LANES)
_PER_W = -(-_NVEC // _NW)
_PAD_ELEMS = _NW * _PER_W * _LANES
_UIDX_PAD = np.zeros((_PAD_ELEMS,), np.int32)
_UIDX_PAD[:_U * _ROW] = _UIDX

@functools.lru_cache(maxsize=None)
def _make_ub_gather():
    mesh = plsc.VectorSubcoreMesh(core_axis_name="c", subcore_axis_name="s")

    @functools.partial(
        pl.kernel,
        out_type=jax.ShapeDtypeStruct((_PAD_ELEMS,), jnp.float32),
        mesh=mesh,
        compiler_params=pltpu.CompilerParams(needs_layout_passes=False),
        scratch_types=[
            pltpu.VMEM((_PER_W * _LANES,), jnp.int32),
            pltpu.VMEM((_PER_W * _LANES,), jnp.float32),
            pltpu.VMEM((_HEADS * _PP,), jnp.float32),
        ],
    )
    def _ub_gather(uidx_hbm, pb_hbm, out_hbm, idx_v, val_v, pb_v):
        wid = lax.axis_index("s") * 2 + lax.axis_index("c")
        base = wid * (_PER_W * _LANES)
        pltpu.sync_copy(pb_hbm, pb_v)
        pltpu.sync_copy(uidx_hbm.at[pl.ds(base, _PER_W * _LANES)], idx_v)
        for j in range(_PER_W):
            idx = idx_v[pl.ds(j * _LANES, _LANES)]
            val_v[pl.ds(j * _LANES, _LANES)] = plsc.load_gather(pb_v, [idx])
        pltpu.sync_copy(val_v, out_hbm.at[pl.ds(base, _PER_W * _LANES)])

    return _ub_gather


_CBK = 2048
_NCH = _BLOCKS // _CBK


def _add_body(in_ref, ubt_ref, oht_ref, out_ref, bias_ref):
    @pl.when(pl.program_id(1) == 0)
    def _():
        bias_ref[...] = jnp.dot(ubt_ref[...], oht_ref[...],
                                preferred_element_type=jnp.float32)

    out_ref[...] = in_ref[...] + bias_ref[...][None]


_add_call = pl.pallas_call(
    _add_body,
    grid=(_NCH, _BATCH),
    in_specs=[
        pl.BlockSpec((1, _ROW, _CBK), lambda c, b: (b, 0, c)),
        pl.BlockSpec((_ROW, _U), lambda c, b: (0, 0)),
        pl.BlockSpec((_U, _CBK), lambda c, b: (0, c)),
    ],
    out_specs=pl.BlockSpec((1, _ROW, _CBK), lambda c, b: (b, 0, c)),
    out_shape=jax.ShapeDtypeStruct((_BATCH, _ROW, _BLOCKS), jnp.float32),
    scratch_shapes=[pltpu.VMEM((_ROW, _CBK), jnp.float32)],
    compiler_params=pltpu.CompilerParams(
        dimension_semantics=("arbitrary", "arbitrary")),
)


def kernel(inputs, pos_bias):
    ub_flat = _make_ub_gather()(jnp.asarray(_UIDX_PAD), pos_bias.reshape(-1))
    ubt = ub_flat[:_ROW * _U].reshape(_ROW, _U)
    xt = inputs.transpose(0, 3, 2, 1).reshape(_BATCH, _ROW, _BLOCKS)
    out = _add_call(xt, ubt, jnp.asarray(_OHT))
    return out.reshape(_BATCH, _WIN, _HEADS, _BLOCKS).transpose(0, 3, 2, 1)

# --- scband reference (transcript-rebuilt; emitter-appended) ---
"""Pipeline reference for scband-multi-head-relative-positional-kernel-bias-10668698763671 (READ-ONLY COPY).

The authoritative reference and input builder live on the scoring server;
editing this copy changes nothing except your own understanding.
"""

import jax, jax.numpy as jnp
import numpy as np

BATCH = 16
BLOCKS = 4096
NUM_HEADS = 16
SIZE = 7  # window size, last dim = SIZE*SIZE = 49
INPUT_HEIGHT = -1


def _bias_coords(blocks, size, input_height=-1):
    height = input_height if input_height > 0 else int(np.sqrt(float(blocks)))
    width = blocks // height
    pos_size = 2 * size - 1
    idx = np.arange(size)
    coords = (idx[:, None] * pos_size + idx).reshape(-1)
    bias_hh = np.concatenate([idx[:size // 2], np.repeat(idx[size // 2], height - size + 1), idx[size // 2 + 1:]])
    bias_ww = np.concatenate([idx[:size // 2], np.repeat(idx[size // 2], width - size + 1), idx[size // 2 + 1:]])
    bias_hw = bias_hh[:, None] * pos_size + bias_ww
    bc = (bias_hw[..., None] + coords).reshape(-1, size * size)[::-1]
    return np.ascontiguousarray(bc).astype(np.int32)  # [blocks, size*size]


BIAS_COORDS = _bias_coords(BLOCKS, SIZE, INPUT_HEIGHT)


def setup_inputs(seed: int = 0) -> dict:
    key = jax.random.key(seed)
    k1, k2 = jax.random.split(key)
    pos_size = 2 * SIZE - 1
    inputs = jax.random.normal(k1, (BATCH, BLOCKS, NUM_HEADS, SIZE * SIZE), dtype=jnp.float32)
    pos_bias = jax.random.normal(k2, (NUM_HEADS, pos_size * pos_size), dtype=jnp.float32) * 0.02
    return {"inputs": inputs, "pos_bias": pos_bias}


def reference(inputs, pos_bias):
    # is_heads_first = False branch of the Keras layer
    bias_coords = jnp.asarray(BIAS_COORDS)  # [blocks, size^2]
    # tf.gather(pos_bias, bias_coords, axis=-1) -> [num_heads, blocks, size^2]
    gathered = jnp.take(pos_bias, bias_coords, axis=-1)
    # transpose perm [1, 0, 2] -> [blocks, num_heads, size^2]
    bias = jnp.transpose(gathered, (1, 0, 2))
    return inputs + bias

if __name__ == "__main__":
    import jax
    _d = setup_inputs()
    print(jax.jit(kernel)(*tuple(_d.values())))

</pallas_src>

<mosaic_0001>
#map = affine_map<(d0, d1) -> (0)>
module attributes {stable_mosaic.version = 14 : i64} {
  func.func @_ub_gather(%arg0: i32, %arg1: i32, %arg2: memref<38912xi32, #tpu.memory_space<hbm>>, %arg3: memref<2704xf32, #tpu.memory_space<hbm>>, %arg4: memref<38912xf32, #tpu.memory_space<hbm>>, %arg5: memref<1216xi32, #tpu.memory_space<vmem>>, %arg6: memref<1216xf32, #tpu.memory_space<vmem>>, %arg7: memref<2704xf32, #tpu.memory_space<vmem>>) attributes {dimension_semantics = [#tpu.dimension_semantics<core_parallel>, #tpu.dimension_semantics<subcore_parallel>], iteration_bounds = array<i64: 2, 16>, scalar_prefetch = 0 : i64, scratch_operands = 3 : i64, tpu.core_type = #tpu.core_type<sc_vector_subcore>, window_params = [{transform_indices = #map}, {transform_indices = #map}, {transform_indices = #map}]} {
    %mul3A = arith.constant 2 : i32
    %mul3A_0 = arith.muli %arg1, %mul3A : i32
    %add3A = arith.addi %mul3A_0, %arg0 : i32
    %mul3A_1 = arith.constant 1216 : i32
    %mul3A_2 = arith.muli %add3A, %mul3A_1 : i32
    "tpu.region"() ({
      %run_scoped3A = tpu.sem_alloc : memref<!tpu.dma_semaphore, #tpu.memory_space<semaphore_mem>>
      tpu.enqueue_dma source(%arg3 : memref<2704xf32, #tpu.memory_space<hbm>>) target(%arg7 : memref<2704xf32, #tpu.memory_space<vmem>>) target_semaphore(%run_scoped3A : memref<!tpu.dma_semaphore, #tpu.memory_space<semaphore_mem>>)
      tpu.wait_dma2 semaphore(%run_scoped3A : memref<!tpu.dma_semaphore, #tpu.memory_space<semaphore_mem>>) src(%arg3 : memref<2704xf32, #tpu.memory_space<hbm>>) dst(%arg7 : memref<2704xf32, #tpu.memory_space<vmem>>)
      tpu.yield
    }) : () -> ()
    "tpu.region"() ({
      %run_scoped3A = tpu.sem_alloc : memref<!tpu.dma_semaphore, #tpu.memory_space<semaphore_mem>>
      %dma_start3A = tpu.memref_slice %arg2[%mul3A_2] : memref<38912xi32, #tpu.memory_space<hbm>> -> memref<1216xi32, #tpu.memory_space<hbm>>
      %dma_start3A_380 = tpu.memref_slice %arg2[%mul3A_2] : memref<38912xi32, #tpu.memory_space<hbm>> -> memref<1216xi32, #tpu.memory_space<hbm>>
      tpu.enqueue_dma source(%dma_start3A_380 : memref<1216xi32, #tpu.memory_space<hbm>>) target(%arg5 : memref<1216xi32, #tpu.memory_space<vmem>>) target_semaphore(%run_scoped3A : memref<!tpu.dma_semaphore, #tpu.memory_space<semaphore_mem>>)
      %dma_wait3A = tpu.memref_slice %arg2[%mul3A_2] : memref<38912xi32, #tpu.memory_space<hbm>> -> memref<1216xi32, #tpu.memory_space<hbm>>
      %dma_wait3A_381 = tpu.memref_slice %arg2[%mul3A_2] : memref<38912xi32, #tpu.memory_space<hbm>> -> memref<1216xi32, #tpu.memory_space<hbm>>
      tpu.wait_dma2 semaphore(%run_scoped3A : memref<!tpu.dma_semaphore, #tpu.memory_space<semaphore_mem>>) src(%dma_wait3A_381 : memref<1216xi32, #tpu.memory_space<hbm>>) dst(%arg5 : memref<1216xi32, #tpu.memory_space<vmem>>)
      tpu.yield
    }) : () -> ()
    %get3A = arith.constant 0 : index
    %get3A_3 = tpu.vector_load %arg5[%get3A] {strides = array<i32>} : memref<1216xi32, #tpu.memory_space<vmem>>, vector<16xi32>,
    %gather3A = tpu.vector_load_idx %arg7[%get3A_3] : memref<2704xf32, #tpu.memory_space<vmem>>[vector<16xi32>], vector<16xf32>,
    %swap3A = arith.constant 0 : index
    %swap3A_4 = tpu.vector_load %arg6[%swap3A] {strides = array<i32>} : memref<1216xf32, #tpu.memory_space<vmem>>, vector<16xf32>,
    tpu.vector_store %arg6[%swap3A], %gather3A {strides = array<i32>} : memref<1216xf32, #tpu.memory_space<vmem>>, vector<16xf32>,
    %get3A_5 = arith.constant 16 : index
    %get3A_6 = tpu.vector_load %arg5[%get3A_5] {strides = array<i32>} : memref<1216xi32, #tpu.memory_space<vmem>>, vector<16xi32>,
    %gather3A_7 = tpu.vector_load_idx %arg7[%get3A_6] : memref<2704xf32, #tpu.memory_space<vmem>>[vector<16xi32>], vector<16xf32>,
    %swap3A_8 = arith.constant 16 : index
    %swap3A_9 = tpu.vector_load %arg6[%swap3A_8] {strides = array<i32>} : memref<1216xf32, #tpu.memory_space<vmem>>, vector<16xf32>,
    tpu.vector_store %arg6[%swap3A_8], %gather3A_7 {strides = array<i32>} : memref<1216xf32, #tpu.memory_space<vmem>>, vector<16xf32>,
    %get3A_10 = arith.constant 32 : index
    %get3A_11 = tpu.vector_load %arg5[%get3A_10] {strides = array<i32>} : memref<1216xi32, #tpu.memory_space<vmem>>, vector<16xi32>,
    %gather3A_12 = tpu.vector_load_idx %arg7[%get3A_11] : memref<2704xf32, #tpu.memory_space<vmem>>[vector<16xi32>], vector<16xf32>,
    %swap3A_13 = arith.constant 32 : index
    %swap3A_14 = tpu.vector_load %arg6[%swap3A_13] {strides = array<i32>} : memref<1216xf32, #tpu.memory_space<vmem>>, vector<16xf32>,
    tpu.vector_store %arg6[%swap3A_13], %gather3A_12 {strides = array<i32>} : memref<1216xf32, #tpu.memory_space<vmem>>, vector<16xf32>,
    %get3A_15 = arith.constant 48 : index
    %get3A_16 = tpu.vector_load %arg5[%get3A_15] {strides = array<i32>} : memref<1216xi32, #tpu.memory_space<vmem>>, vector<16xi32>,
    %gather3A_17 = tpu.vector_load_idx %arg7[%get3A_16] : memref<2704xf32, #tpu.memory_space<vmem>>[vector<16xi32>], vector<16xf32>,
    %swap3A_18 = arith.constant 48 : index
    %swap3A_19 = tpu.vector_load %arg6[%swap3A_18] {strides = array<i32>} : memref<1216xf32, #tpu.memory_space<vmem>>, vector<16xf32>,
    tpu.vector_store %arg6[%swap3A_18], %gather3A_17 {strides = array<i32>} : memref<1216xf32, #tpu.memory_space<vmem>>, vector<16xf32>,
    %get3A_20 = arith.constant 64 : index
    %get3A_21 = tpu.vector_load %arg5[%get3A_20] {strides = array<i32>} : memref<1216xi32, #tpu.memory_space<vmem>>, vector<16xi32>,
    %gather3A_22 = tpu.vector_load_idx %arg7[%get3A_21] : memref<2704xf32, #tpu.memory_space<vmem>>[vector<16xi32>], vector<16xf32>,
    %swap3A_23 = arith.constant 64 : index
    %swap3A_24 = tpu.vector_load %arg6[%swap3A_23] {strides = array<i32>} : memref<1216xf32, #tpu.memory_space<vmem>>, vector<16xf32>,
    tpu.vector_store %arg6[%swap3A_23], %gather3A_22 {strides = array<i32>} : memref<1216xf32, #tpu.memory_space<vmem>>, vector<16xf32>,
    %get3A_25 = arith.constant 80 : index
    %get3A_26 = tpu.vector_load %arg5[%get3A_25] {strides = array<i32>} : memref<1216xi32, #tpu.memory_space<vmem>>, vector<16xi32>,
    %gather3A_27 = tpu.vector_load_idx %arg7[%get3A_26] : memref<2704xf32, #tpu.memory_space<vmem>>[vector<16xi32>], vector<16xf32>,
    %swap3A_28 = arith.constant 80 : index
    %swap3A_29 = tpu.vector_load %arg6[%swap3A_28] {strides = array<i32>} : memref<1216xf32, #tpu.memory_space<vmem>>, vector<16xf32>,
    tpu.vector_store %arg6[%swap3A_28], %gather3A_27 {strides = array<i32>} : memref<1216xf32, #tpu.memory_space<vmem>>, vector<16xf32>,
    %get3A_30 = arith.constant 96 : index
    %get3A_31 = tpu.vector_load %arg5[%get3A_30] {strides = array<i32>} : memref<1216xi32, #tpu.memory_space<vmem>>, vector<16xi32>,
    %gather3A_32 = tpu.vector_load_idx %arg7[%get3A_31] : memref<2704xf32, #tpu.memory_space<vmem>>[vector<16xi32>], vector<16xf32>,
    %swap3A_33 = arith.constant 96 : index
    %swap3A_34 = tpu.vector_load %arg6[%swap3A_33] {strides = array<i32>} : memref<1216xf32, #tpu.memory_space<vmem>>, vector<16xf32>,
    tpu.vector_store %arg6[%swap3A_33], %gather3A_32 {strides = array<i32>} : memref<1216xf32, #tpu.memory_space<vmem>>, vector<16xf32>,
    %get3A_35 = arith.constant 112 : index
    %get3A_36 = tpu.vector_load %arg5[%get3A_35] {strides = array<i32>} : memref<1216xi32, #tpu.memory_space<vmem>>, vector<16xi32>,
    %gather3A_37 = tpu.vector_load_idx %arg7[%get3A_36] : memref<2704xf32, #tpu.memory_space<vmem>>[vector<16xi32>], vector<16xf32>,
    %swap3A_38 = arith.constant 112 : index
    %swap3A_39 = tpu.vector_load %arg6[%swap3A_38] {strides = array<i32>} : memref<1216xf32, #tpu.memory_space<vmem>>, vector<16xf32>,
    tpu.vector_store %arg6[%swap3A_38], %gather3A_37 {strides = array<i32>} : memref<1216xf32, #tpu.memory_space<vmem>>, vector<16xf32>,
    %get3A_40 = arith.constant 128 : index
    %get3A_41 = tpu.vector_load %arg5[%get3A_40] {strides = array<i32>} : memref<1216xi32, #tpu.memory_space<vmem>>, vector<16xi32>,
    %gather3A_42 = tpu.vector_load_idx %arg7[%get3A_41] : memref<2704xf32, #tpu.memory_space<vmem>>[vector<16xi32>], vector<16xf32>,
    %swap3A_43 = arith.constant 128 : index
    %swap3A_44 = tpu.vector_load %arg6[%swap3A_43] {strides = array<i32>} : memref<1216xf32, #tpu.memory_space<vmem>>, vector<16xf32>,
    tpu.vector_store %arg6[%swap3A_43], %gather3A_42 {strides = array<i32>} : memref<1216xf32, #tpu.memory_space<vmem>>, vector<16xf32>,
    %get3A_45 = arith.constant 144 : index
    %get3A_46 = tpu.vector_load %arg5[%get3A_45] {strides = array<i32>} : memref<1216xi32, #tpu.memory_space<vmem>>, vector<16xi32>,
    %gather3A_47 = tpu.vector_load_idx %arg7[%get3A_46] : memref<2704xf32, #tpu.memory_space<vmem>>[vector<16xi32>], vector<16xf32>,
    %swap3A_48 = arith.constant 144 : index
    %swap3A_49 = tpu.vector_load %arg6[%swap3A_48] {strides = array<i32>} : memref<1216xf32, #tpu.memory_space<vmem>>, vector<16xf32>,
    tpu.vector_store %arg6[%swap3A_48], %gather3A_47 {strides = array<i32>} : memref<1216xf32, #tpu.memory_space<vmem>>, vector<16xf32>,
    %get3A_50 = arith.constant 160 : index
    %get3A_51 = tpu.vector_load %arg5[%get3A_50] {strides = array<i32>} : memref<1216xi32, #tpu.memory_space<vmem>>, vector<16xi32>,
    %gather3A_52 = tpu.vector_load_idx %arg7[%get3A_51] : memref<2704xf32, #tpu.memory_space<vmem>>[vector<16xi32>], vector<16xf32>,
    %swap3A_53 = arith.constant 160 : index
    %swap3A_54 = tpu.vector_load %arg6[%swap3A_53] {strides = array<i32>} : memref<1216xf32, #tpu.memory_space<vmem>>, vector<16xf32>,
    tpu.vector_store %arg6[%swap3A_53], %gather3A_52 {strides = array<i32>} : memref<1216xf32, #tpu.memory_space<vmem>>, vector<16xf32>,
    %get3A_55 = arith.constant 176 : index
    %get3A_56 = tpu.vector_load %arg5[%get3A_55] {strides = array<i32>} : memref<1216xi32, #tpu.memory_space<vmem>>, vector<16xi32>,
    %gather3A_57 = tpu.vector_load_idx %arg7[%get3A_56] : memref<2704xf32, #tpu.memory_space<vmem>>[vector<16xi32>], vector<16xf32>,
    %swap3A_58 = arith.constant 176 : index
    %swap3A_59 = tpu.vector_load %arg6[%swap3A_58] {strides = array<i32>} : memref<1216xf32, #tpu.memory_space<vmem>>, vector<16xf32>,
    tpu.vector_store %arg6[%swap3A_58], %gather3A_57 {strides = array<i32>} : memref<1216xf32, #tpu.memory_space<vmem>>, vector<16xf32>,
    %get3A_60 = arith.constant 192 : index
    %get3A_61 = tpu.vector_load %arg5[%get3A_60] {strides = array<i32>} : memref<1216xi32, #tpu.memory_space<vmem>>, vector<16xi32>,
    %gather3A_62 = tpu.vector_load_idx %arg7[%get3A_61] : memref<2704xf32, #tpu.memory_space<vmem>>[vector<16xi32>], vector<16xf32>,
    %swap3A_63 = arith.constant 192 : index
    %swap3A_64 = tpu.vector_load %arg6[%swap3A_63] {strides = array<i32>} : memref<1216xf32, #tpu.memory_space<vmem>>, vector<16xf32>,
    tpu.vector_store %arg6[%swap3A_63], %gather3A_62 {strides = array<i32>} : memref<1216xf32, #tpu.memory_space<vmem>>, vector<16xf32>,
    %get3A_65 = arith.constant 208 : index
    %get3A_66 = tpu.vector_load %arg5[%get3A_65] {strides = array<i32>} : memref<1216xi32, #tpu.memory_space<vmem>>, vector<16xi32>,
    %gather3A_67 = tpu.vector_load_idx %arg7[%get3A_66] : memref<2704xf32, #tpu.memory_space<vmem>>[vector<16xi32>], vector<16xf32>,
    %swap3A_68 = arith.constant 208 : index
    %swap3A_69 = tpu.vector_load %arg6[%swap3A_68] {strides = array<i32>} : memref<1216xf32, #tpu.memory_space<vmem>>, vector<16xf32>,
    tpu.vector_store %arg6[%swap3A_68], %gather3A_67 {strides = array<i32>} : memref<1216xf32, #tpu.memory_space<vmem>>, vector<16xf32>,
    %get3A_70 = arith.constant 224 : index
    %get3A_71 = tpu.vector_load %arg5[%get3A_70] {strides = array<i32>} : memref<1216xi32, #tpu.memory_space<vmem>>, vector<16xi32>,
    %gather3A_72 = tpu.vector_load_idx %arg7[%get3A_71] : memref<2704xf32, #tpu.memory_space<vmem>>[vector<16xi32>], vector<16xf32>,
    %swap3A_73 = arith.constant 224 : index
    %swap3A_74 = tpu.vector_load %arg6[%swap3A_73] {strides = array<i32>} : memref<1216xf32, #tpu.memory_space<vmem>>, vector<16xf32>,
    tpu.vector_store %arg6[%swap3A_73], %gather3A_72 {strides = array<i32>} : memref<1216xf32, #tpu.memory_space<vmem>>, vector<16xf32>,
    %get3A_75 = arith.constant 240 : index
    %get3A_76 = tpu.vector_load %arg5[%get3A_75] {strides = array<i32>} : memref<1216xi32, #tpu.memory_space<vmem>>, vector<16xi32>,
    %gather3A_77 = tpu.vector_load_idx %arg7[%get3A_76] : memref<2704xf32, #tpu.memory_space<vmem>>[vector<16xi32>], vector<16xf32>,
    %swap3A_78 = arith.constant 240 : index
    %swap3A_79 = tpu.vector_load %arg6[%swap3A_78] {strides = array<i32>} : memref<1216xf32, #tpu.memory_space<vmem>>, vector<16xf32>,
    tpu.vector_store %arg6[%swap3A_78], %gather3A_77 {strides = array<i32>} : memref<1216xf32, #tpu.memory_space<vmem>>, vector<16xf32>,
    %get3A_80 = arith.constant 256 : index
    %get3A_81 = tpu.vector_load %arg5[%get3A_80] {strides = array<i32>} : memref<1216xi32, #tpu.memory_space<vmem>>, vector<16xi32>,
    %gather3A_82 = tpu.vector_load_idx %arg7[%get3A_81] : memref<2704xf32, #tpu.memory_space<vmem>>[vector<16xi32>], vector<16xf32>,
    %swap3A_83 = arith.constant 256 : index
    %swap3A_84 = tpu.vector_load %arg6[%swap3A_83] {strides = array<i32>} : memref<1216xf32, #tpu.memory_space<vmem>>, vector<16xf32>,
    tpu.vector_store %arg6[%swap3A_83], %gather3A_82 {strides = array<i32>} : memref<1216xf32, #tpu.memory_space<vmem>>, vector<16xf32>,
    %get3A_85 = arith.constant 272 : index
    %get3A_86 = tpu.vector_load %arg5[%get3A_85] {strides = array<i32>} : memref<1216xi32, #tpu.memory_space<vmem>>, vector<16xi32>,
    %gather3A_87 = tpu.vector_load_idx %arg7[%get3A_86] : memref<2704xf32, #tpu.memory_space<vmem>>[vector<16xi32>], vector<16xf32>,
    %swap3A_88 = arith.constant 272 : index
    %swap3A_89 = tpu.vector_load %arg6[%swap3A_88] {strides = array<i32>} : memref<1216xf32, #tpu.memory_space<vmem>>, vector<16xf32>,
    tpu.vector_store %arg6[%swap3A_88], %gather3A_87 {strides = array<i32>} : memref<1216xf32, #tpu.memory_space<vmem>>, vector<16xf32>,
    %get3A_90 = arith.constant 288 : index
    %get3A_91 = tpu.vector_load %arg5[%get3A_90] {strides = array<i32>} : memref<1216xi32, #tpu.memory_space<vmem>>, vector<16xi32>,
    %gather3A_92 = tpu.vector_load_idx %arg7[%get3A_91] : memref<2704xf32, #tpu.memory_space<vmem>>[vector<16xi32>], vector<16xf32>,
    %swap3A_93 = arith.constant 288 : index
    %swap3A_94 = tpu.vector_load %arg6[%swap3A_93] {strides = array<i32>} : memref<1216xf32, #tpu.memory_space<vmem>>, vector<16xf32>,
    tpu.vector_store %arg6[%swap3A_93], %gather3A_92 {strides = array<i32>} : memref<1216xf32, #tpu.memory_space<vmem>>, vector<16xf32>,
    %get3A_95 = arith.constant 304 : index
    %get3A_96 = tpu.vector_load %arg5[%get3A_95] {strides = array<i32>} : memref<1216xi32, #tpu.memory_space<vmem>>, vector<16xi32>,
    %gather3A_97 = tpu.vector_load_idx %arg7[%get3A_96] : memref<2704xf32, #tpu.memory_space<vmem>>[vector<16xi32>], vector<16xf32>,
    %swap3A_98 = arith.constant 304 : index
    %swap3A_99 = tpu.vector_load %arg6[%swap3A_98] {strides = array<i32>} : memref<1216xf32, #tpu.memory_space<vmem>>, vector<16xf32>,
    tpu.vector_store %arg6[%swap3A_98], %gather3A_97 {strides = array<i32>} : memref<1216xf32, #tpu.memory_space<vmem>>, vector<16xf32>,
    %get3A_100 = arith.constant 320 : index
    %get3A_101 = tpu.vector_load %arg5[%get3A_100] {strides = array<i32>} : memref<1216xi32, #tpu.memory_space<vmem>>, vector<16xi32>,
    %gather3A_102 = tpu.vector_load_idx %arg7[%get3A_101] : memref<2704xf32, #tpu.memory_space<vmem>>[vector<16xi32>], vector<16xf32>,
    %swap3A_103 = arith.constant 320 : index
    %swap3A_104 = tpu.vector_load %arg6[%swap3A_103] {strides = array<i32>} : memref<1216xf32, #tpu.memory_space<vmem>>, vector<16xf32>,
    tpu.vector_store %arg6[%swap3A_103], %gather3A_102 {strides = array<i32>} : memref<1216xf32, #tpu.memory_space<vmem>>, vector<16xf32>,
    %get3A_105 = arith.constant 336 : index
    %get3A_106 = tpu.vector_load %arg5[%get3A_105] {strides = array<i32>} : memref<1216xi32, #tpu.memory_space<vmem>>, vector<16xi32>,
    %gather3A_107 = tpu.vector_load_idx %arg7[%get3A_106] : memref<2704xf32, #tpu.memory_space<vmem>>[vector<16xi32>], vector<16xf32>,
    %swap3A_108 = arith.constant 336 : index
    %swap3A_109 = tpu.vector_load %arg6[%swap3A_108] {strides = array<i32>} : memref<1216xf32, #tpu.memory_space<vmem>>, vector<16xf32>,
    tpu.vector_store %arg6[%swap3A_108], %gather3A_107 {strides = array<i32>} : memref<1216xf32, #tpu.memory_space<vmem>>, vector<16xf32>,
    %get3A_110 = arith.constant 352 : index
    %get3A_111 = tpu.vector_load %arg5[%get3A_110] {strides = array<i32>} : memref<1216xi32, #tpu.memory_space<vmem>>, vector<16xi32>,
    %gather3A_112 = tpu.vector_load_idx %arg7[%get3A_111] : memref<2704xf32, #tpu.memory_space<vmem>>[vector<16xi32>], vector<16xf32>,
    %swap3A_113 = arith.constant 352 : index
    %swap3A_114 = tpu.vector_load %arg6[%swap3A_113] {strides = array<i32>} : memref<1216xf32, #tpu.memory_space<vmem>>, vector<16xf32>,
    tpu.vector_store %arg6[%swap3A_113], %gather3A_112 {strides = array<i32>} : memref<1216xf32, #tpu.memory_space<vmem>>, vector<16xf32>,
    %get3A_115 = arith.constant 368 : index
    %get3A_116 = tpu.vector_load %arg5[%get3A_115] {strides = array<i32>} : memref<1216xi32, #tpu.memory_space<vmem>>, vector<16xi32>,
    %gather3A_117 = tpu.vector_load_idx %arg7[%get3A_116] : memref<2704xf32, #tpu.memory_space<vmem>>[vector<16xi32>], vector<16xf32>,
    %swap3A_118 = arith.constant 368 : index
    %swap3A_119 = tpu.vector_load %arg6[%swap3A_118] {strides = array<i32>} : memref<1216xf32, #tpu.memory_space<vmem>>, vector<16xf32>,
    tpu.vector_store %arg6[%swap3A_118], %gather3A_117 {strides = array<i32>} : memref<1216xf32, #tpu.memory_space<vmem>>, vector<16xf32>,
    %get3A_120 = arith.constant 384 : index
    %get3A_121 = tpu.vector_load %arg5[%get3A_120] {strides = array<i32>} : memref<1216xi32, #tpu.memory_space<vmem>>, vector<16xi32>,
    %gather3A_122 = tpu.vector_load_idx %arg7[%get3A_121] : memref<2704xf32, #tpu.memory_space<vmem>>[vector<16xi32>], vector<16xf32>,
    %swap3A_123 = arith.constant 384 : index
    %swap3A_124 = tpu.vector_load %arg6[%swap3A_123] {strides = array<i32>} : memref<1216xf32, #tpu.memory_space<vmem>>, vector<16xf32>,
    tpu.vector_store %arg6[%swap3A_123], %gather3A_122 {strides = array<i32>} : memref<1216xf32, #tpu.memory_space<vmem>>, vector<16xf32>,
    %get3A_125 = arith.constant 400 : index
    %get3A_126 = tpu.vector_load %arg5[%get3A_125] {strides = array<i32>} : memref<1216xi32, #tpu.memory_space<vmem>>, vector<16xi32>,
    %gather3A_127 = tpu.vector_load_idx %arg7[%get3A_126] : memref<2704xf32, #tpu.memory_space<vmem>>[vector<16xi32>], vector<16xf32>,
    %swap3A_128 = arith.constant 400 : index
    %swap3A_129 = tpu.vector_load %arg6[%swap3A_128] {strides = array<i32>} : memref<1216xf32, #tpu.memory_space<vmem>>, vector<16xf32>,
    tpu.vector_store %arg6[%swap3A_128], %gather3A_127 {strides = array<i32>} : memref<1216xf32, #tpu.memory_space<vmem>>, vector<16xf32>,
    %get3A_130 = arith.constant 416 : index
    %get3A_131 = tpu.vector_load %arg5[%get3A_130] {strides = array<i32>} : memref<1216xi32, #tpu.memory_space<vmem>>, vector<16xi32>,
    %gather3A_132 = tpu.vector_load_idx %arg7[%get3A_131] : memref<2704xf32, #tpu.memory_space<vmem>>[vector<16xi32>], vector<16xf32>,
    %swap3A_133 = arith.constant 416 : index
    %swap3A_134 = tpu.vector_load %arg6[%swap3A_133] {strides = array<i32>} : memref<1216xf32, #tpu.memory_space<vmem>>, vector<16xf32>,
    tpu.vector_store %arg6[%swap3A_133], %gather3A_132 {strides = array<i32>} : memref<1216xf32, #tpu.memory_space<vmem>>, vector<16xf32>,
    %get3A_135 = arith.constant 432 : index
    %get3A_136 = tpu.vector_load %arg5[%get3A_135] {strides = array<i32>} : memref<1216xi32, #tpu.memory_space<vmem>>, vector<16xi32>,
    %gather3A_137 = tpu.vector_load_idx %arg7[%get3A_136] : memref<2704xf32, #tpu.memory_space<vmem>>[vector<16xi32>], vector<16xf32>,
    %swap3A_138 = arith.constant 432 : index
    %swap3A_139 = tpu.vector_load %arg6[%swap3A_138] {strides = array<i32>} : memref<1216xf32, #tpu.memory_space<vmem>>, vector<16xf32>,
    tpu.vector_store %arg6[%swap3A_138], %gather3A_137 {strides = array<i32>} : memref<1216xf32, #tpu.memory_space<vmem>>, vector<16xf32>,
    %get3A_140 = arith.constant 448 : index
    %get3A_141 = tpu.vector_load %arg5[%get3A_140] {strides = array<i32>} : memref<1216xi32, #tpu.memory_space<vmem>>, vector<16xi32>,
    %gather3A_142 = tpu.vector_load_idx %arg7[%get3A_141] : memref<2704xf32, #tpu.memory_space<vmem>>[vector<16xi32>], vector<16xf32>,
    %swap3A_143 = arith.constant 448 : index
    %swap3A_144 = tpu.vector_load %arg6[%swap3A_143] {strides = array<i32>} : memref<1216xf32, #tpu.memory_space<vmem>>, vector<16xf32>,
    tpu.vector_store %arg6[%swap3A_143], %gather3A_142 {strides = array<i32>} : memref<1216xf32, #tpu.memory_space<vmem>>, vector<16xf32>,
    %get3A_145 = arith.constant 464 : index
    %get3A_146 = tpu.vector_load %arg5[%get3A_145] {strides = array<i32>} : memref<1216xi32, #tpu.memory_space<vmem>>, vector<16xi32>,
    %gather3A_147 = tpu.vector_load_idx %arg7[%get3A_146] : memref<2704xf32, #tpu.memory_space<vmem>>[vector<16xi32>], vector<16xf32>,
    %swap3A_148 = arith.constant 464 : index
    %swap3A_149 = tpu.vector_load %arg6[%swap3A_148] {strides = array<i32>} : memref<1216xf32, #tpu.memory_space<vmem>>, vector<16xf32>,
    tpu.vector_store %arg6[%swap3A_148], %gather3A_147 {strides = array<i32>} : memref<1216xf32, #tpu.memory_space<vmem>>, vector<16xf32>,
    %get3A_150 = arith.constant 480 : index
    %get3A_151 = tpu.vector_load %arg5[%get3A_150] {strides = array<i32>} : memref<1216xi32, #tpu.memory_space<vmem>>, vector<16xi32>,
    %gather3A_152 = tpu.vector_load_idx %arg7[%get3A_151] : memref<2704xf32, #tpu.memory_space<vmem>>[vector<16xi32>], vector<16xf32>,
    %swap3A_153 = arith.constant 480 : index
    %swap3A_154 = tpu.vector_load %arg6[%swap3A_153] {strides = array<i32>} : memref<1216xf32, #tpu.memory_space<vmem>>, vector<16xf32>,
    tpu.vector_store %arg6[%swap3A_153], %gather3A_152 {strides = array<i32>} : memref<1216xf32, #tpu.memory_space<vmem>>, vector<16xf32>,
    %get3A_155 = arith.constant 496 : index
    %get3A_156 = tpu.vector_load %arg5[%get3A_155] {strides = array<i32>} : memref<1216xi32, #tpu.memory_space<vmem>>, vector<16xi32>,
    %gather3A_157 = tpu.vector_load_idx %arg7[%get3A_156] : memref<2704xf32, #tpu.memory_space<vmem>>[vector<16xi32>], vector<16xf32>,
    %swap3A_158 = arith.constant 496 : index
    %swap3A_159 = tpu.vector_load %arg6[%swap3A_158] {strides = array<i32>} : memref<1216xf32, #tpu.memory_space<vmem>>, vector<16xf32>,
    tpu.vector_store %arg6[%swap3A_158], %gather3A_157 {strides = array<i32>} : memref<1216xf32, #tpu.memory_space<vmem>>, vector<16xf32>,
    %get3A_160 = arith.constant 512 : index
    %get3A_161 = tpu.vector_load %arg5[%get3A_160] {strides = array<i32>} : memref<1216xi32, #tpu.memory_space<vmem>>, vector<16xi32>,
    %gather3A_162 = tpu.vector_load_idx %arg7[%get3A_161] : memref<2704xf32, #tpu.memory_space<vmem>>[vector<16xi32>], vector<16xf32>,
    %swap3A_163 = arith.constant 512 : index
    %swap3A_164 = tpu.vector_load %arg6[%swap3A_163] {strides = array<i32>} : memref<1216xf32, #tpu.memory_space<vmem>>, vector<16xf32>,
    tpu.vector_store %arg6[%swap3A_163], %gather3A_162 {strides = array<i32>} : memref<1216xf32, #tpu.memory_space<vmem>>, vector<16xf32>,
    %get3A_165 = arith.constant 528 : index
    %get3A_166 = tpu.vector_load %arg5[%get3A_165] {strides = array<i32>} : memref<1216xi32, #tpu.memory_space<vmem>>, vector<16xi32>,
    %gather3A_167 = tpu.vector_load_idx %arg7[%get3A_166] : memref<2704xf32, #tpu.memory_space<vmem>>[vector<16xi32>], vector<16xf32>,
    %swap3A_168 = arith.constant 528 : index
    %swap3A_169 = tpu.vector_load %arg6[%swap3A_168] {strides = array<i32>} : memref<1216xf32, #tpu.memory_space<vmem>>, vector<16xf32>,
    tpu.vector_store %arg6[%swap3A_168], %gather3A_167 {strides = array<i32>} : memref<1216xf32, #tpu.memory_space<vmem>>, vector<16xf32>,
    %get3A_170 = arith.constant 544 : index
    %get3A_171 = tpu.vector_load %arg5[%get3A_170] {strides = array<i32>} : memref<1216xi32, #tpu.memory_space<vmem>>, vector<16xi32>,
    %gather3A_172 = tpu.vector_load_idx %arg7[%get3A_171] : memref<2704xf32, #tpu.memory_space<vmem>>[vector<16xi32>], vector<16xf32>,
    %swap3A_173 = arith.constant 544 : index
    %swap3A_174 = tpu.vector_load %arg6[%swap3A_173] {strides = array<i32>} : memref<1216xf32, #tpu.memory_space<vmem>>, vector<16xf32>,
    tpu.vector_store %arg6[%swap3A_173], %gather3A_172 {strides = array<i32>} : memref<1216xf32, #tpu.memory_space<vmem>>, vector<16xf32>,
    %get3A_175 = arith.constant 560 : index
    %get3A_176 = tpu.vector_load %arg5[%get3A_175] {strides = array<i32>} : memref<1216xi32, #tpu.memory_space<vmem>>, vector<16xi32>,
    %gather3A_177 = tpu.vector_load_idx %arg7[%get3A_176] : memref<2704xf32, #tpu.memory_space<vmem>>[vector<16xi32>], vector<16xf32>,
    %swap3A_178 = arith.constant 560 : index
    %swap3A_179 = tpu.vector_load %arg6[%swap3A_178] {strides = array<i32>} : memref<1216xf32, #tpu.memory_space<vmem>>, vector<16xf32>,
    tpu.vector_store %arg6[%swap3A_178], %gather3A_177 {strides = array<i32>} : memref<1216xf32, #tpu.memory_space<vmem>>, vector<16xf32>,
    %get3A_180 = arith.constant 576 : index
    %get3A_181 = tpu.vector_load %arg5[%get3A_180] {strides = array<i32>} : memref<1216xi32, #tpu.memory_space<vmem>>, vector<16xi32>,
    %gather3A_182 = tpu.vector_load_idx %arg7[%get3A_181] : memref<2704xf32, #tpu.memory_space<vmem>>[vector<16xi32>], vector<16xf32>,
    %swap3A_183 = arith.constant 576 : index
    %swap3A_184 = tpu.vector_load %arg6[%swap3A_183] {strides = array<i32>} : memref<1216xf32, #tpu.memory_space<vmem>>, vector<16xf32>,
    tpu.vector_store %arg6[%swap3A_183], %gather3A_182 {strides = array<i32>} : memref<1216xf32, #tpu.memory_space<vmem>>, vector<16xf32>,
    %get3A_185 = arith.constant 592 : index
    %get3A_186 = tpu.vector_load %arg5[%get3A_185] {strides = array<i32>} : memref<1216xi32, #tpu.memory_space<vmem>>, vector<16xi32>,
    %gather3A_187 = tpu.vector_load_idx %arg7[%get3A_186] : memref<2704xf32, #tpu.memory_space<vmem>>[vector<16xi32>], vector<16xf32>,
    %swap3A_188 = arith.constant 592 : index
    %swap3A_189 = tpu.vector_load %arg6[%swap3A_188] {strides = array<i32>} : memref<1216xf32, #tpu.memory_space<vmem>>, vector<16xf32>,
    tpu.vector_store %arg6[%swap3A_188], %gather3A_187 {strides = array<i32>} : memref<1216xf32, #tpu.memory_space<vmem>>, vector<16xf32>,
    %get3A_190 = arith.constant 608 : index
    %get3A_191 = tpu.vector_load %arg5[%get3A_190] {strides = array<i32>} : memref<1216xi32, #tpu.memory_space<vmem>>, vector<16xi32>,
    %gather3A_192 = tpu.vector_load_idx %arg7[%get3A_191] : memref<2704xf32, #tpu.memory_space<vmem>>[vector<16xi32>], vector<16xf32>,
    %swap3A_193 = arith.constant 608 : index
    %swap3A_194 = tpu.vector_load %arg6[%swap3A_193] {strides = array<i32>} : memref<1216xf32, #tpu.memory_space<vmem>>, vector<16xf32>,
    tpu.vector_store %arg6[%swap3A_193], %gather3A_192 {strides = array<i32>} : memref<1216xf32, #tpu.memory_space<vmem>>, vector<16xf32>,
    %get3A_195 = arith.constant 624 : index
    %get3A_196 = tpu.vector_load %arg5[%get3A_195] {strides = array<i32>} : memref<1216xi32, #tpu.memory_space<vmem>>, vector<16xi32>,
    %gather3A_197 = tpu.vector_load_idx %arg7[%get3A_196] : memref<2704xf32, #tpu.memory_space<vmem>>[vector<16xi32>], vector<16xf32>,
    %swap3A_198 = arith.constant 624 : index
    %swap3A_199 = tpu.vector_load %arg6[%swap3A_198] {strides = array<i32>} : memref<1216xf32, #tpu.memory_space<vmem>>, vector<16xf32>,
    tpu.vector_store %arg6[%swap3A_198], %gather3A_197 {strides = array<i32>} : memref<1216xf32, #tpu.memory_space<vmem>>, vector<16xf32>,
    %get3A_200 = arith.constant 640 : index
    %get3A_201 = tpu.vector_load %arg5[%get3A_200] {strides = array<i32>} : memref<1216xi32, #tpu.memory_space<vmem>>, vector<16xi32>,
    %gather3A_202 = tpu.vector_load_idx %arg7[%get3A_201] : memref<2704xf32, #tpu.memory_space<vmem>>[vector<16xi32>], vector<16xf32>,
    %swap3A_203 = arith.constant 640 : index
    %swap3A_204 = tpu.vector_load %arg6[%swap3A_203] {strides = array<i32>} : memref<1216xf32, #tpu.memory_space<vmem>>, vector<16xf32>,
    tpu.vector_store %arg6[%swap3A_203], %gather3A_202 {strides = array<i32>} : memref<1216xf32, #tpu.memory_space<vmem>>, vector<16xf32>,
    %get3A_205 = arith.constant 656 : index
    %get3A_206 = tpu.vector_load %arg5[%get3A_205] {strides = array<i32>} : memref<1216xi32, #tpu.memory_space<vmem>>, vector<16xi32>,
    %gather3A_207 = tpu.vector_load_idx %arg7[%get3A_206] : memref<2704xf32, #tpu.memory_space<vmem>>[vector<16xi32>], vector<16xf32>,
    %swap3A_208 = arith.constant 656 : index
    %swap3A_209 = tpu.vector_load %arg6[%swap3A_208] {strides = array<i32>} : memref<1216xf32, #tpu.memory_space<vmem>>, vector<16xf32>,
    tpu.vector_store %arg6[%swap3A_208], %gather3A_207 {strides = array<i32>} : memref<1216xf32, #tpu.memory_space<vmem>>, vector<16xf32>,
    %get3A_210 = arith.constant 672 : index
    %get3A_211 = tpu.vector_load %arg5[%get3A_210] {strides = array<i32>} : memref<1216xi32, #tpu.memory_space<vmem>>, vector<16xi32>,
    %gather3A_212 = tpu.vector_load_idx %arg7[%get3A_211] : memref<2704xf32, #tpu.memory_space<vmem>>[vector<16xi32>], vector<16xf32>,
    %swap3A_213 = arith.constant 672 : index
    %swap3A_214 = tpu.vector_load %arg6[%swap3A_213] {strides = array<i32>} : memref<1216xf32, #tpu.memory_space<vmem>>, vector<16xf32>,
    tpu.vector_store %arg6[%swap3A_213], %gather3A_212 {strides = array<i32>} : memref<1216xf32, #tpu.memory_space<vmem>>, vector<16xf32>,
    %get3A_215 = arith.constant 688 : index
    %get3A_216 = tpu.vector_load %arg5[%get3A_215] {strides = array<i32>} : memref<1216xi32, #tpu.memory_space<vmem>>, vector<16xi32>,
    %gather3A_217 = tpu.vector_load_idx %arg7[%get3A_216] : memref<2704xf32, #tpu.memory_space<vmem>>[vector<16xi32>], vector<16xf32>,
    %swap3A_218 = arith.constant 688 : index
    %swap3A_219 = tpu.vector_load %arg6[%swap3A_218] {strides = array<i32>} : memref<1216xf32, #tpu.memory_space<vmem>>, vector<16xf32>,
    tpu.vector_store %arg6[%swap3A_218], %gather3A_217 {strides = array<i32>} : memref<1216xf32, #tpu.memory_space<vmem>>, vector<16xf32>,
    %get3A_220 = arith.constant 704 : index
    %get3A_221 = tpu.vector_load %arg5[%get3A_220] {strides = array<i32>} : memref<1216xi32, #tpu.memory_space<vmem>>, vector<16xi32>,
    %gather3A_222 = tpu.vector_load_idx %arg7[%get3A_221] : memref<2704xf32, #tpu.memory_space<vmem>>[vector<16xi32>], vector<16xf32>,
    %swap3A_223 = arith.constant 704 : index
    %swap3A_224 = tpu.vector_load %arg6[%swap3A_223] {strides = array<i32>} : memref<1216xf32, #tpu.memory_space<vmem>>, vector<16xf32>,
    tpu.vector_store %arg6[%swap3A_223], %gather3A_222 {strides = array<i32>} : memref<1216xf32, #tpu.memory_space<vmem>>, vector<16xf32>,
    %get3A_225 = arith.constant 720 : index
    %get3A_226 = tpu.vector_load %arg5[%get3A_225] {strides = array<i32>} : memref<1216xi32, #tpu.memory_space<vmem>>, vector<16xi32>,
    %gather3A_227 = tpu.vector_load_idx %arg7[%get3A_226] : memref<2704xf32, #tpu.memory_space<vmem>>[vector<16xi32>], vector<16xf32>,
    %swap3A_228 = arith.constant 720 : index
    %swap3A_229 = tpu.vector_load %arg6[%swap3A_228] {strides = array<i32>} : memref<1216xf32, #tpu.memory_space<vmem>>, vector<16xf32>,
    tpu.vector_store %arg6[%swap3A_228], %gather3A_227 {strides = array<i32>} : memref<1216xf32, #tpu.memory_space<vmem>>, vector<16xf32>,
    %get3A_230 = arith.constant 736 : index
    %get3A_231 = tpu.vector_load %arg5[%get3A_230] {strides = array<i32>} : memref<1216xi32, #tpu.memory_space<vmem>>, vector<16xi32>,
    %gather3A_232 = tpu.vector_load_idx %arg7[%get3A_231] : memref<2704xf32, #tpu.memory_space<vmem>>[vector<16xi32>], vector<16xf32>,
    %swap3A_233 = arith.constant 736 : index
    %swap3A_234 = tpu.vector_load %arg6[%swap3A_233] {strides = array<i32>} : memref<1216xf32, #tpu.memory_space<vmem>>, vector<16xf32>,
    tpu.vector_store %arg6[%swap3A_233], %gather3A_232 {strides = array<i32>} : memref<1216xf32, #tpu.memory_space<vmem>>, vector<16xf32>,
    %get3A_235 = arith.constant 752 : index
    %get3A_236 = tpu.vector_load %arg5[%get3A_235] {strides = array<i32>} : memref<1216xi32, #tpu.memory_space<vmem>>, vector<16xi32>,
    %gather3A_237 = tpu.vector_load_idx %arg7[%get3A_236] : memref<2704xf32, #tpu.memory_space<vmem>>[vector<16xi32>], vector<16xf32>,
    %swap3A_238 = arith.constant 752 : index
    %swap3A_239 = tpu.vector_load %arg6[%swap3A_238] {strides = array<i32>} : memref<1216xf32, #tpu.memory_space<vmem>>, vector<16xf32>,
    tpu.vector_store %arg6[%swap3A_238], %gather3A_237 {strides = array<i32>} : memref<1216xf32, #tpu.memory_space<vmem>>, vector<16xf32>,
    %get3A_240 = arith.constant 768 : index
    %get3A_241 = tpu.vector_load %arg5[%get3A_240] {strides = array<i32>} : memref<1216xi32, #tpu.memory_space<vmem>>, vector<16xi32>,
    %gather3A_242 = tpu.vector_load_idx %arg7[%get3A_241] : memref<2704xf32, #tpu.memory_space<vmem>>[vector<16xi32>], vector<16xf32>,
    %swap3A_243 = arith.constant 768 : index
    %swap3A_244 = tpu.vector_load %arg6[%swap3A_243] {strides = array<i32>} : memref<1216xf32, #tpu.memory_space<vmem>>, vector<16xf32>,
    tpu.vector_store %arg6[%swap3A_243], %gather3A_242 {strides = array<i32>} : memref<1216xf32, #tpu.memory_space<vmem>>, vector<16xf32>,
    %get3A_245 = arith.constant 784 : index
    %get3A_246 = tpu.vector_load %arg5[%get3A_245] {strides = array<i32>} : memref<1216xi32, #tpu.memory_space<vmem>>, vector<16xi32>,
    %gather3A_247 = tpu.vector_load_idx %arg7[%get3A_246] : memref<2704xf32, #tpu.memory_space<vmem>>[vector<16xi32>], vector<16xf32>,
    %swap3A_248 = arith.constant 784 : index
    %swap3A_249 = tpu.vector_load %arg6[%swap3A_248] {strides = array<i32>} : memref<1216xf32, #tpu.memory_space<vmem>>, vector<16xf32>,
    tpu.vector_store %arg6[%swap3A_248], %gather3A_247 {strides = array<i32>} : memref<1216xf32, #tpu.memory_space<vmem>>, vector<16xf32>,
    %get3A_250 = arith.constant 800 : index
    %get3A_251 = tpu.vector_load %arg5[%get3A_250] {strides = array<i32>} : memref<1216xi32, #tpu.memory_space<vmem>>, vector<16xi32>,
    %gather3A_252 = tpu.vector_load_idx %arg7[%get3A_251] : memref<2704xf32, #tpu.memory_space<vmem>>[vector<16xi32>], vector<16xf32>,
    %swap3A_253 = arith.constant 800 : index
    %swap3A_254 = tpu.vector_load %arg6[%swap3A_253] {strides = array<i32>} : memref<1216xf32, #tpu.memory_space<vmem>>, vector<16xf32>,
    tpu.vector_store %arg6[%swap3A_253], %gather3A_252 {strides = array<i32>} : memref<1216xf32, #tpu.memory_space<vmem>>, vector<16xf32>,
    %get3A_255 = arith.constant 816 : index
    %get3A_256 = tpu.vector_load %arg5[%get3A_255] {strides = array<i32>} : memref<1216xi32, #tpu.memory_space<vmem>>, vector<16xi32>,
    %gather3A_257 = tpu.vector_load_idx %arg7[%get3A_256] : memref<2704xf32, #tpu.memory_space<vmem>>[vector<16xi32>], vector<16xf32>,
    %swap3A_258 = arith.constant 816 : index
    %swap3A_259 = tpu.vector_load %arg6[%swap3A_258] {strides = array<i32>} : memref<1216xf32, #tpu.memory_space<vmem>>, vector<16xf32>,
    tpu.vector_store %arg6[%swap3A_258], %gather3A_257 {strides = array<i32>} : memref<1216xf32, #tpu.memory_space<vmem>>, vector<16xf32>,
    %get3A_260 = arith.constant 832 : index
    %get3A_261 = tpu.vector_load %arg5[%get3A_260] {strides = array<i32>} : memref<1216xi32, #tpu.memory_space<vmem>>, vector<16xi32>,
    %gather3A_262 = tpu.vector_load_idx %arg7[%get3A_261] : memref<2704xf32, #tpu.memory_space<vmem>>[vector<16xi32>], vector<16xf32>,
    %swap3A_263 = arith.constant 832 : index
    %swap3A_264 = tpu.vector_load %arg6[%swap3A_263] {strides = array<i32>} : memref<1216xf32, #tpu.memory_space<vmem>>, vector<16xf32>,
    tpu.vector_store %arg6[%swap3A_263], %gather3A_262 {strides = array<i32>} : memref<1216xf32, #tpu.memory_space<vmem>>, vector<16xf32>,
    %get3A_265 = arith.constant 848 : index
    %get3A_266 = tpu.vector_load %arg5[%get3A_265] {strides = array<i32>} : memref<1216xi32, #tpu.memory_space<vmem>>, vector<16xi32>,
    %gather3A_267 = tpu.vector_load_idx %arg7[%get3A_266] : memref<2704xf32, #tpu.memory_space<vmem>>[vector<16xi32>], vector<16xf32>,
    %swap3A_268 = arith.constant 848 : index
    %swap3A_269 = tpu.vector_load %arg6[%swap3A_268] {strides = array<i32>} : memref<1216xf32, #tpu.memory_space<vmem>>, vector<16xf32>,
    tpu.vector_store %arg6[%swap3A_268], %gather3A_267 {strides = array<i32>} : memref<1216xf32, #tpu.memory_space<vmem>>, vector<16xf32>,
    %get3A_270 = arith.constant 864 : index
    %get3A_271 = tpu.vector_load %arg5[%get3A_270] {strides = array<i32>} : memref<1216xi32, #tpu.memory_space<vmem>>, vector<16xi32>,
    %gather3A_272 = tpu.vector_load_idx %arg7[%get3A_271] : memref<2704xf32, #tpu.memory_space<vmem>>[vector<16xi32>], vector<16xf32>,
    %swap3A_273 = arith.constant 864 : index
    %swap3A_274 = tpu.vector_load %arg6[%swap3A_273] {strides = array<i32>} : memref<1216xf32, #tpu.memory_space<vmem>>, vector<16xf32>,
    tpu.vector_store %arg6[%swap3A_273], %gather3A_272 {strides = array<i32>} : memref<1216xf32, #tpu.memory_space<vmem>>, vector<16xf32>,
    %get3A_275 = arith.constant 880 : index
    %get3A_276 = tpu.vector_load %arg5[%get3A_275] {strides = array<i32>} : memref<1216xi32, #tpu.memory_space<vmem>>, vector<16xi32>,
    %gather3A_277 = tpu.vector_load_idx %arg7[%get3A_276] : memref<2704xf32, #tpu.memory_space<vmem>>[vector<16xi32>], vector<16xf32>,
    %swap3A_278 = arith.constant 880 : index
    %swap3A_279 = tpu.vector_load %arg6[%swap3A_278] {strides = array<i32>} : memref<1216xf32, #tpu.memory_space<vmem>>, vector<16xf32>,
    tpu.vector_store %arg6[%swap3A_278], %gather3A_277 {strides = array<i32>} : memref<1216xf32, #tpu.memory_space<vmem>>, vector<16xf32>,
    %get3A_280 = arith.constant 896 : index
    %get3A_281 = tpu.vector_load %arg5[%get3A_280] {strides = array<i32>} : memref<1216xi32, #tpu.memory_space<vmem>>, vector<16xi32>,
    %gather3A_282 = tpu.vector_load_idx %arg7[%get3A_281] : memref<2704xf32, #tpu.memory_space<vmem>>[vector<16xi32>], vector<16xf32>,
    %swap3A_283 = arith.constant 896 : index
    %swap3A_284 = tpu.vector_load %arg6[%swap3A_283] {strides = array<i32>} : memref<1216xf32, #tpu.memory_space<vmem>>, vector<16xf32>,
    tpu.vector_store %arg6[%swap3A_283], %gather3A_282 {strides = array<i32>} : memref<1216xf32, #tpu.memory_space<vmem>>, vector<16xf32>,
    %get3A_285 = arith.constant 912 : index
    %get3A_286 = tpu.vector_load %arg5[%get3A_285] {strides = array<i32>} : memref<1216xi32, #tpu.memory_space<vmem>>, vector<16xi32>,
    %gather3A_287 = tpu.vector_load_idx %arg7[%get3A_286] : memref<2704xf32, #tpu.memory_space<vmem>>[vector<16xi32>], vector<16xf32>,
    %swap3A_288 = arith.constant 912 : index
    %swap3A_289 = tpu.vector_load %arg6[%swap3A_288] {strides = array<i32>} : memref<1216xf32, #tpu.memory_space<vmem>>, vector<16xf32>,
    tpu.vector_store %arg6[%swap3A_288], %gather3A_287 {strides = array<i32>} : memref<1216xf32, #tpu.memory_space<vmem>>, vector<16xf32>,
    %get3A_290 = arith.constant 928 : index
    %get3A_291 = tpu.vector_load %arg5[%get3A_290] {strides = array<i32>} : memref<1216xi32, #tpu.memory_space<vmem>>, vector<16xi32>,
    %gather3A_292 = tpu.vector_load_idx %arg7[%get3A_291] : memref<2704xf32, #tpu.memory_space<vmem>>[vector<16xi32>], vector<16xf32>,
    %swap3A_293 = arith.constant 928 : index
    %swap3A_294 = tpu.vector_load %arg6[%swap3A_293] {strides = array<i32>} : memref<1216xf32, #tpu.memory_space<vmem>>, vector<16xf32>,
    tpu.vector_store %arg6[%swap3A_293], %gather3A_292 {strides = array<i32>} : memref<1216xf32, #tpu.memory_space<vmem>>, vector<16xf32>,
    %get3A_295 = arith.constant 944 : index
    %get3A_296 = tpu.vector_load %arg5[%get3A_295] {strides = array<i32>} : memref<1216xi32, #tpu.memory_space<vmem>>, vector<16xi32>,
    %gather3A_297 = tpu.vector_load_idx %arg7[%get3A_296] : memref<2704xf32, #tpu.memory_space<vmem>>[vector<16xi32>], vector<16xf32>,
    %swap3A_298 = arith.constant 944 : index
    %swap3A_299 = tpu.vector_load %arg6[%swap3A_298] {strides = array<i32>} : memref<1216xf32, #tpu.memory_space<vmem>>, vector<16xf32>,
    tpu.vector_store %arg6[%swap3A_298], %gather3A_297 {strides = array<i32>} : memref<1216xf32, #tpu.memory_space<vmem>>, vector<16xf32>,
    %get3A_300 = arith.constant 960 : index
    %get3A_301 = tpu.vector_load %arg5[%get3A_300] {strides = array<i32>} : memref<1216xi32, #tpu.memory_space<vmem>>, vector<16xi32>,
    %gather3A_302 = tpu.vector_load_idx %arg7[%get3A_301] : memref<2704xf32, #tpu.memory_space<vmem>>[vector<16xi32>], vector<16xf32>,
    %swap3A_303 = arith.constant 960 : index
    %swap3A_304 = tpu.vector_load %arg6[%swap3A_303] {strides = array<i32>} : memref<1216xf32, #tpu.memory_space<vmem>>, vector<16xf32>,
    tpu.vector_store %arg6[%swap3A_303], %gather3A_302 {strides = array<i32>} : memref<1216xf32, #tpu.memory_space<vmem>>, vector<16xf32>,
    %get3A_305 = arith.constant 976 : index
    %get3A_306 = tpu.vector_load %arg5[%get3A_305] {strides = array<i32>} : memref<1216xi32, #tpu.memory_space<vmem>>, vector<16xi32>,
    %gather3A_307 = tpu.vector_load_idx %arg7[%get3A_306] : memref<2704xf32, #tpu.memory_space<vmem>>[vector<16xi32>], vector<16xf32>,
    %swap3A_308 = arith.constant 976 : index
    %swap3A_309 = tpu.vector_load %arg6[%swap3A_308] {strides = array<i32>} : memref<1216xf32, #tpu.memory_space<vmem>>, vector<16xf32>,
    tpu.vector_store %arg6[%swap3A_308], %gather3A_307 {strides = array<i32>} : memref<1216xf32, #tpu.memory_space<vmem>>, vector<16xf32>,
    %get3A_310 = arith.constant 992 : index
    %get3A_311 = tpu.vector_load %arg5[%get3A_310] {strides = array<i32>} : memref<1216xi32, #tpu.memory_space<vmem>>, vector<16xi32>,
    %gather3A_312 = tpu.vector_load_idx %arg7[%get3A_311] : memref<2704xf32, #tpu.memory_space<vmem>>[vector<16xi32>], vector<16xf32>,
    %swap3A_313 = arith.constant 992 : index
    %swap3A_314 = tpu.vector_load %arg6[%swap3A_313] {strides = array<i32>} : memref<1216xf32, #tpu.memory_space<vmem>>, vector<16xf32>,
    tpu.vector_store %arg6[%swap3A_313], %gather3A_312 {strides = array<i32>} : memref<1216xf32, #tpu.memory_space<vmem>>, vector<16xf32>,
    %get3A_315 = arith.constant 1008 : index
    %get3A_316 = tpu.vector_load %arg5[%get3A_315] {strides = array<i32>} : memref<1216xi32, #tpu.memory_space<vmem>>, vector<16xi32>,
    %gather3A_317 = tpu.vector_load_idx %arg7[%get3A_316] : memref<2704xf32, #tpu.memory_space<vmem>>[vector<16xi32>], vector<16xf32>,
    %swap3A_318 = arith.constant 1008 : index
    %swap3A_319 = tpu.vector_load %arg6[%swap3A_318] {strides = array<i32>} : memref<1216xf32, #tpu.memory_space<vmem>>, vector<16xf32>,
    tpu.vector_store %arg6[%swap3A_318], %gather3A_317 {strides = array<i32>} : memref<1216xf32, #tpu.memory_space<vmem>>, vector<16xf32>,
    %get3A_320 = arith.constant 1024 : index
    %get3A_321 = tpu.vector_load %arg5[%get3A_320] {strides = array<i32>} : memref<1216xi32, #tpu.memory_space<vmem>>, vector<16xi32>,
    %gather3A_322 = tpu.vector_load_idx %arg7[%get3A_321] : memref<2704xf32, #tpu.memory_space<vmem>>[vector<16xi32>], vector<16xf32>,
    %swap3A_323 = arith.constant 1024 : index
    %swap3A_324 = tpu.vector_load %arg6[%swap3A_323] {strides = array<i32>} : memref<1216xf32, #tpu.memory_space<vmem>>, vector<16xf32>,
    tpu.vector_store %arg6[%swap3A_323], %gather3A_322 {strides = array<i32>} : memref<1216xf32, #tpu.memory_space<vmem>>, vector<16xf32>,
    %get3A_325 = arith.constant 1040 : index
    %get3A_326 = tpu.vector_load %arg5[%get3A_325] {strides = array<i32>} : memref<1216xi32, #tpu.memory_space<vmem>>, vector<16xi32>,
    %gather3A_327 = tpu.vector_load_idx %arg7[%get3A_326] : memref<2704xf32, #tpu.memory_space<vmem>>[vector<16xi32>], vector<16xf32>,
    %swap3A_328 = arith.constant 1040 : index
    %swap3A_329 = tpu.vector_load %arg6[%swap3A_328] {strides = array<i32>} : memref<1216xf32, #tpu.memory_space<vmem>>, vector<16xf32>,
    tpu.vector_store %arg6[%swap3A_328], %gather3A_327 {strides = array<i32>} : memref<1216xf32, #tpu.memory_space<vmem>>, vector<16xf32>,
    %get3A_330 = arith.constant 1056 : index
    %get3A_331 = tpu.vector_load %arg5[%get3A_330] {strides = array<i32>} : memref<1216xi32, #tpu.memory_space<vmem>>, vector<16xi32>,
    %gather3A_332 = tpu.vector_load_idx %arg7[%get3A_331] : memref<2704xf32, #tpu.memory_space<vmem>>[vector<16xi32>], vector<16xf32>,
    %swap3A_333 = arith.constant 1056 : index
    %swap3A_334 = tpu.vector_load %arg6[%swap3A_333] {strides = array<i32>} : memref<1216xf32, #tpu.memory_space<vmem>>, vector<16xf32>,
    tpu.vector_store %arg6[%swap3A_333], %gather3A_332 {strides = array<i32>} : memref<1216xf32, #tpu.memory_space<vmem>>, vector<16xf32>,
    %get3A_335 = arith.constant 1072 : index
    %get3A_336 = tpu.vector_load %arg5[%get3A_335] {strides = array<i32>} : memref<1216xi32, #tpu.memory_space<vmem>>, vector<16xi32>,
    %gather3A_337 = tpu.vector_load_idx %arg7[%get3A_336] : memref<2704xf32, #tpu.memory_space<vmem>>[vector<16xi32>], vector<16xf32>,
    %swap3A_338 = arith.constant 1072 : index
    %swap3A_339 = tpu.vector_load %arg6[%swap3A_338] {strides = array<i32>} : memref<1216xf32, #tpu.memory_space<vmem>>, vector<16xf32>,
    tpu.vector_store %arg6[%swap3A_338], %gather3A_337 {strides = array<i32>} : memref<1216xf32, #tpu.memory_space<vmem>>, vector<16xf32>,
    %get3A_340 = arith.constant 1088 : index
    %get3A_341 = tpu.vector_load %arg5[%get3A_340] {strides = array<i32>} : memref<1216xi32, #tpu.memory_space<vmem>>, vector<16xi32>,
    %gather3A_342 = tpu.vector_load_idx %arg7[%get3A_341] : memref<2704xf32, #tpu.memory_space<vmem>>[vector<16xi32>], vector<16xf32>,
    %swap3A_343 = arith.constant 1088 : index
    %swap3A_344 = tpu.vector_load %arg6[%swap3A_343] {strides = array<i32>} : memref<1216xf32, #tpu.memory_space<vmem>>, vector<16xf32>,
    tpu.vector_store %arg6[%swap3A_343], %gather3A_342 {strides = array<i32>} : memref<1216xf32, #tpu.memory_space<vmem>>, vector<16xf32>,
    %get3A_345 = arith.constant 1104 : index
    %get3A_346 = tpu.vector_load %arg5[%get3A_345] {strides = array<i32>} : memref<1216xi32, #tpu.memory_space<vmem>>, vector<16xi32>,
    %gather3A_347 = tpu.vector_load_idx %arg7[%get3A_346] : memref<2704xf32, #tpu.memory_space<vmem>>[vector<16xi32>], vector<16xf32>,
    %swap3A_348 = arith.constant 1104 : index
    %swap3A_349 = tpu.vector_load %arg6[%swap3A_348] {strides = array<i32>} : memref<1216xf32, #tpu.memory_space<vmem>>, vector<16xf32>,
    tpu.vector_store %arg6[%swap3A_348], %gather3A_347 {strides = array<i32>} : memref<1216xf32, #tpu.memory_space<vmem>>, vector<16xf32>,
    %get3A_350 = arith.constant 1120 : index
    %get3A_351 = tpu.vector_load %arg5[%get3A_350] {strides = array<i32>} : memref<1216xi32, #tpu.memory_space<vmem>>, vector<16xi32>,
    %gather3A_352 = tpu.vector_load_idx %arg7[%get3A_351] : memref<2704xf32, #tpu.memory_space<vmem>>[vector<16xi32>], vector<16xf32>,
    %swap3A_353 = arith.constant 1120 : index
    %swap3A_354 = tpu.vector_load %arg6[%swap3A_353] {strides = array<i32>} : memref<1216xf32, #tpu.memory_space<vmem>>, vector<16xf32>,
    tpu.vector_store %arg6[%swap3A_353], %gather3A_352 {strides = array<i32>} : memref<1216xf32, #tpu.memory_space<vmem>>, vector<16xf32>,
    %get3A_355 = arith.constant 1136 : index
    %get3A_356 = tpu.vector_load %arg5[%get3A_355] {strides = array<i32>} : memref<1216xi32, #tpu.memory_space<vmem>>, vector<16xi32>,
    %gather3A_357 = tpu.vector_load_idx %arg7[%get3A_356] : memref<2704xf32, #tpu.memory_space<vmem>>[vector<16xi32>], vector<16xf32>,
    %swap3A_358 = arith.constant 1136 : index
    %swap3A_359 = tpu.vector_load %arg6[%swap3A_358] {strides = array<i32>} : memref<1216xf32, #tpu.memory_space<vmem>>, vector<16xf32>,
    tpu.vector_store %arg6[%swap3A_358], %gather3A_357 {strides = array<i32>} : memref<1216xf32, #tpu.memory_space<vmem>>, vector<16xf32>,
    %get3A_360 = arith.constant 1152 : index
    %get3A_361 = tpu.vector_load %arg5[%get3A_360] {strides = array<i32>} : memref<1216xi32, #tpu.memory_space<vmem>>, vector<16xi32>,
    %gather3A_362 = tpu.vector_load_idx %arg7[%get3A_361] : memref<2704xf32, #tpu.memory_space<vmem>>[vector<16xi32>], vector<16xf32>,
    %swap3A_363 = arith.constant 1152 : index
    %swap3A_364 = tpu.vector_load %arg6[%swap3A_363] {strides = array<i32>} : memref<1216xf32, #tpu.memory_space<vmem>>, vector<16xf32>,
    tpu.vector_store %arg6[%swap3A_363], %gather3A_362 {strides = array<i32>} : memref<1216xf32, #tpu.memory_space<vmem>>, vector<16xf32>,
    %get3A_365 = arith.constant 1168 : index
    %get3A_366 = tpu.vector_load %arg5[%get3A_365] {strides = array<i32>} : memref<1216xi32, #tpu.memory_space<vmem>>, vector<16xi32>,
    %gather3A_367 = tpu.vector_load_idx %arg7[%get3A_366] : memref<2704xf32, #tpu.memory_space<vmem>>[vector<16xi32>], vector<16xf32>,
    %swap3A_368 = arith.constant 1168 : index
    %swap3A_369 = tpu.vector_load %arg6[%swap3A_368] {strides = array<i32>} : memref<1216xf32, #tpu.memory_space<vmem>>, vector<16xf32>,
    tpu.vector_store %arg6[%swap3A_368], %gather3A_367 {strides = array<i32>} : memref<1216xf32, #tpu.memory_space<vmem>>, vector<16xf32>,
    %get3A_370 = arith.constant 1184 : index
    %get3A_371 = tpu.vector_load %arg5[%get3A_370] {strides = array<i32>} : memref<1216xi32, #tpu.memory_space<vmem>>, vector<16xi32>,
    %gather3A_372 = tpu.vector_load_idx %arg7[%get3A_371] : memref<2704xf32, #tpu.memory_space<vmem>>[vector<16xi32>], vector<16xf32>,
    %swap3A_373 = arith.constant 1184 : index
    %swap3A_374 = tpu.vector_load %arg6[%swap3A_373] {strides = array<i32>} : memref<1216xf32, #tpu.memory_space<vmem>>, vector<16xf32>,
    tpu.vector_store %arg6[%swap3A_373], %gather3A_372 {strides = array<i32>} : memref<1216xf32, #tpu.memory_space<vmem>>, vector<16xf32>,
    %get3A_375 = arith.constant 1200 : index
    %get3A_376 = tpu.vector_load %arg5[%get3A_375] {strides = array<i32>} : memref<1216xi32, #tpu.memory_space<vmem>>, vector<16xi32>,
    %gather3A_377 = tpu.vector_load_idx %arg7[%get3A_376] : memref<2704xf32, #tpu.memory_space<vmem>>[vector<16xi32>], vector<16xf32>,
    %swap3A_378 = arith.constant 1200 : index
    %swap3A_379 = tpu.vector_load %arg6[%swap3A_378] {strides = array<i32>} : memref<1216xf32, #tpu.memory_space<vmem>>, vector<16xf32>,
    tpu.vector_store %arg6[%swap3A_378], %gather3A_377 {strides = array<i32>} : memref<1216xf32, #tpu.memory_space<vmem>>, vector<16xf32>,
    "tpu.region"() ({
      %run_scoped3A = tpu.sem_alloc : memref<!tpu.dma_semaphore, #tpu.memory_space<semaphore_mem>>
      %dma_start3A = tpu.memref_slice %arg4[%mul3A_2] : memref<38912xf32, #tpu.memory_space<hbm>> -> memref<1216xf32, #tpu.memory_space<hbm>>
      %dma_start3A_380 = tpu.memref_slice %arg4[%mul3A_2] : memref<38912xf32, #tpu.memory_space<hbm>> -> memref<1216xf32, #tpu.memory_space<hbm>>
      tpu.enqueue_dma source(%arg6 : memref<1216xf32, #tpu.memory_space<vmem>>) target(%dma_start3A_380 : memref<1216xf32, #tpu.memory_space<hbm>>) target_semaphore(%run_scoped3A : memref<!tpu.dma_semaphore, #tpu.memory_space<semaphore_mem>>)
      %dma_wait3A = tpu.memref_slice %arg4[%mul3A_2] : memref<38912xf32, #tpu.memory_space<hbm>> -> memref<1216xf32, #tpu.memory_space<hbm>>
      %dma_wait3A_381 = tpu.memref_slice %arg4[%mul3A_2] : memref<38912xf32, #tpu.memory_space<hbm>> -> memref<1216xf32, #tpu.memory_space<hbm>>
      tpu.wait_dma2 semaphore(%run_scoped3A : memref<!tpu.dma_semaphore, #tpu.memory_space<semaphore_mem>>) src(%arg6 : memref<1216xf32, #tpu.memory_space<vmem>>) dst(%dma_wait3A_381 : memref<1216xf32, #tpu.memory_space<hbm>>)
      tpu.yield
    }) : () -> ()
    return
  }
}

module attributes {stable_mosaic.version = 14 : i64} {
  func.func @_add_body(%arg0: i32, %arg1: i32, %arg2: memref<1x784x2048xf32, #tpu.memory_space<vmem>>, %arg3: memref<784x49xf32, #tpu.memory_space<vmem>>, %arg4: memref<49x2048xf32, #tpu.memory_space<vmem>>, %arg5: memref<1x784x2048xf32, #tpu.memory_space<vmem>>, %arg6: memref<784x2048xf32, #tpu.memory_space<vmem>>) attributes {dimension_semantics = [#tpu.dimension_semantics<arbitrary>, #tpu.dimension_semantics<arbitrary>], iteration_bounds = array<i64: 2, 16>, scalar_prefetch = 0 : i64, scratch_operands = 1 : i64, tpu.core_type = #tpu.core_type<tc>, window_params = [{transform_indices = @transform_0, window_bounds = array<i64: 1, 784, 2048>}, {pipeline_mode = #tpu.pipeline_mode<synchronous>, transform_indices = @transform_1, window_bounds = array<i64: 784, 49>}, {transform_indices = @transform_2, window_bounds = array<i64: 49, 2048>}, {transform_indices = @transform_3, window_bounds = array<i64: 1, 784, 2048>}]} {
    %eq3A = arith.constant 0 : i32
    %eq3A_0 = arith.cmpi eq, %arg1, %eq3A : i32
    %convert_element_type3A = arith.extui %eq3A_0 : i1 to i32
    %cond3A = arith.constant 0 : i32
    %cond3A_1 = arith.cmpi ne, %convert_element_type3A, %cond3A : i32
    scf.if %cond3A_1 {
      %get3A_11 = arith.constant 0 : index
      %get3A_12 = arith.constant 0 : index
      %get3A_13 = vector.load %arg3[%get3A_11, %get3A_12] : memref<784x49xf32, #tpu.memory_space<vmem>>, vector<784x49xf32>
      %get3A_14 = arith.constant 0 : index
      %get3A_15 = arith.constant 0 : index
      %get3A_16 = vector.load %arg4[%get3A_14, %get3A_15] : memref<49x2048xf32, #tpu.memory_space<vmem>>, vector<49x2048xf32>
      %dot_general3A = arith.constant dense<0.000000e+00> : vector<784x2048xf32>
      %dot_general3A_17 = tpu.matmul %get3A_13, %get3A_16, %dot_general3A {dimension_numbers = #tpu.dot_dimension_numbers<[1], [0], [0], [1], [0, 0, 1, 1], [], []>, transpose_lhs_hint = false} : vector<784x49xf32>, vector<49x2048xf32>, vector<784x2048xf32> -> vector<784x2048xf32>
      %swap3A_18 = arith.constant 0 : index
      %swap3A_19 = arith.constant 0 : index
      %swap3A_20 = vector.load %arg6[%swap3A_18, %swap3A_19] : memref<784x2048xf32, #tpu.memory_space<vmem>>, vector<784x2048xf32>
      tpu.vector_store %arg6[%swap3A_18, %swap3A_19], %dot_general3A_17 {strides = array<i32>} : memref<784x2048xf32, #tpu.memory_space<vmem>>, vector<784x2048xf32>,
    } else {
    }
    %get3A = arith.constant 0 : index
    %get3A_2 = arith.constant 0 : index
    %get3A_3 = arith.constant 0 : index
    %get3A_4 = vector.load %arg2[%get3A, %get3A_2, %get3A_3] : memref<1x784x2048xf32, #tpu.memory_space<vmem>>, vector<1x784x2048xf32>
    %get3A_5 = arith.constant 0 : index
    %get3A_6 = arith.constant 0 : index
    %get3A_7 = vector.load %arg6[%get3A_5, %get3A_6] : memref<784x2048xf32, #tpu.memory_space<vmem>>, vector<784x2048xf32>
    %broadcast_in_dim3A = vector.shape_cast %get3A_7 : vector<784x2048xf32> to vector<1x784x2048xf32>
    %add3A = arith.addf %get3A_4, %broadcast_in_dim3A : vector<1x784x2048xf32>
    %swap3A = arith.constant 0 : index
    %swap3A_8 = arith.constant 0 : index
    %swap3A_9 = arith.constant 0 : index
    %swap3A_10 = vector.load %arg5[%swap3A, %swap3A_8, %swap3A_9] : memref<1x784x2048xf32, #tpu.memory_space<vmem>>, vector<1x784x2048xf32>
    tpu.vector_store %arg5[%swap3A, %swap3A_8, %swap3A_9], %add3A {strides = array<i32>} : memref<1x784x2048xf32, #tpu.memory_space<vmem>>, vector<1x784x2048xf32>,
    return
  }
  func.func @transform_0(%arg0: i32, %arg1: i32) -> (i32, i32, i32) {
    %c0_i32 = arith.constant 0 : i32
    %c0_i32_0 = arith.constant 0 : i32
    return %arg1, %c0_i32, %arg0 : i32, i32, i32
  }
  func.func @transform_1(%arg0: i32, %arg1: i32) -> (i32, i32) {
    %c0_i32 = arith.constant 0 : i32
    %c0_i32_0 = arith.constant 0 : i32
    %c0_i32_1 = arith.constant 0 : i32
    return %c0_i32, %c0_i32_0 : i32, i32
  }
  func.func @transform_2(%arg0: i32, %arg1: i32) -> (i32, i32) {
    %c0_i32 = arith.constant 0 : i32
    %c0_i32_0 = arith.constant 0 : i32
    return %c0_i32, %arg0 : i32, i32
  }
  func.func @transform_3(%arg0: i32, %arg1: i32) -> (i32, i32, i32) {
    %c0_i32 = arith.constant 0 : i32
    %c0_i32_0 = arith.constant 0 : i32
    return %arg1, %c0_i32, %arg0 : i32, i32, i32
  }
}

</mosaic_0001>

<sc_bundles>
// kernel: kernel.4.cloned.1.call-start
scs
__scs_entry_jumppad:
0x0: {  	(pc) =	sbr.rel $0x88, $3  }
0x1: {  	(tag) =	ssettag $0x0;
	lr =	simm.s32 $0x1  }
0x2: {  	[smem:$0x3F9F] =	sst lr;
	_ =	strace $0xD0000000  }
0x3: {  	_ = 	snop  }
0x4: {  	_ = 	snop  }
0x5: {  	_ = 	snop  }
0x6: {  	_ = 	snop  }
0x7: {  	_ = 	snop  }
__scs_overlays_trampoline_lowered:
0x8: {  	[smem:$0x3FAE] =	sst s0  }
0x9: {  	[smem:$0x3FAF] =	sst s1  }
0xa: {  	[smem:$0x3FB0] =	sst s2  }
0xb: {  	[smem:$0x3FB1] =	sst s3  }
0xc: {  	[smem:$0x3FB2] =	sst s4  }
0xd: {  	[smem:$0x3FB3] =	sst s5  }
0xe: {  	[smem:$0x3FB4] =	sst s6  }
0xf: {  	[smem:$0x3FB5] =	sst s7  }
0x10: {  	[smem:$0x3FB6] =	sst s8  }
0x11: {  	[smem:$0x3FB7] =	sst s9;
	s0 =	simm.s32 @!p0 $0x0  }
0x12: {  	s1 =	sld [smem:$0x3F9D];
	s0 =	simm.s32 @p0 $0x1  }
0x13: {  	[smem:$0x3FB8] =	sst s0;
	s0 =	simm.s32 @!p1 $0x0  }
0x14: {  	s2 =	sld [smem:$0x3F9C];
	s0 =	simm.s32 @p1 $0x1  }
0x15: {  	[smem:$0x3FB9] =	sst s0;
	s0 =	simm.s32 @!p2 $0x0  }
0x16: {  	s3 =	sld [smem:$0x3FDB];
	s0 =	simm.s32 @p2 $0x1  }
0x17: {  	s4 =	simm.s32 $0x1BF5;
	[smem:$0x3FBB] =	sst s0  }
0x18: {  	s0 =	sld [smem:$0x3F9E];
	_ =	swait.ge [sflag:s4], $0x0  }
0x19: {  	s7 =	sld [smem:$0x3F9F]  }
0x1a: {  	s8 =	sadd.s32 $0xFFFFE003, lr  }
0x1b: {  	s9 =	sadd.s32 $0xFFFFFEF7, lr;
	s5 =	simm.s32 $0xFFFFFFFF;
	p2 =	slt.u32 s8, $0xFFFFF086  }
0x1c: {  	p1 =	slt.u32 s9, $0xF7A;
	s5 =	simm.s32 @!p2 $0x0  }
0x1d: {  	s5 =	simm.s32 @p1 $0x1;
	p0 =	seq.s32 s7, s2  }
0x1e: {  	s7 =	smul.u32 @!p0 $0xF7A, s2;
	p2 =	seq.s32 @!p0 s5, $0x0  }
0x1f: {  	s9 =	smul.u32 $0xF7A, s1;
	s8 =	simm.s32 @!p0 $0x1BF5;
	p2 =	por !p2, p0  }
0x20: {  	[sflag:s8] =	ssyncset.s32 @!p0 $0xFFFFF086;
	s6 =	sadd.s32 @!p0 s3, s7;
	s7 =	simm.s32 @!p0 $0x108  }
0x21: {  	s3 =	sadd.s32 s3, s9;
	s6 =	sadd.s32 @!p0 $0x88, s6;
	s7 =	simm.s32 @p2 $0x1082  }
0x22: {  	[simem:s7], [sflag:s8] =	dma.local @!p0 [hbm:s6], $0xF7A  }
0x23: {  	s9 =	sor.u32 $0xD0000000, s2;
	s6 =	simm.s32 $0x108;
	_ =	swait.ge @!p0 [sflag:s8], $0x0  }
0x24: {  	s3 =	sadd.s32 $0x88, s3;
	s6 =	simm.s32 @!p1 $0x1082;
	[sflag:s4] =	ssyncset.s32 $0xFFFFF086  }
0x25: {  	[simem:s6], [sflag:s4] =	dma.local [hbm:s3], $0xF7A  }
0x26: {  	[smem:$0x3F9F] =	sst s1;
	(tag) =	ssettag s2;
	_ =	strace s9  }
0x27: {  	s1 =	sld [smem:$0x3FAF]  }
0x28: {  	s2 =	sld [smem:$0x3FB0]  }
0x29: {  	s4 =	sld [smem:$0x3FB2]  }
0x2a: {  	p0 =	seq.s32 s5, $0x0;
	s5 =	sld [smem:$0x3FB3]  }
0x2b: {  	s6 =	sld [smem:$0x3FB4]  }
0x2c: {  	s7 =	sld [smem:$0x3FB5]  }
0x2d: {  	s3 =	simm.s32 $0x108;
	s8 =	sld [smem:$0x3FB6]  }
0x2e: {  	s3 =	simm.s32 @!p0 $0x1082;
	s9 =	sld [smem:$0x3FB7]  }
0x2f: {  	lr =	sadd.s32 s0, s3;
	s0 =	sld [smem:$0x3FAE]  }
0x30: {  	s3 =	sld [smem:$0x3FB1]  }
0x31: {  	[smem:$0x3FBA] =	sst s10  }
0x32: {  	s10 =	sld [smem:$0x3FB8];
	_ =	sdelay $0x3  }
0x33: {  	p0 =	seq.s32 s10, $0x1;
	s10 =	sld [smem:$0x3FBA];
	_ =	sdelay $0x3  }
0x34: {  	[smem:$0x3FBA] =	sst s10  }
0x35: {  	s10 =	sld [smem:$0x3FB9];
	_ =	sdelay $0x3  }
0x36: {  	p1 =	seq.s32 s10, $0x1;
	s10 =	sld [smem:$0x3FBA];
	_ =	sdelay $0x3  }
0x37: {  	[smem:$0x3FBA] =	sst s10  }
0x38: {  	s10 =	sld [smem:$0x3FBB]  }
0x39: {  	_ = 	snop;
	(pc) =	sbr.ind lr, $3  }
0x3a: {  	_ = 	snop  }
0x3b: {  	_ = 	snop  }
0x3c: {  	p2 =	seq.s32 s10, $0x1;
	s10 =	sld [smem:$0x3FBA]  }
0x3d: {  	_ =	shalt  }
0x3e: {  	_ =	shalt  }
0x3f: {  	_ =	shalt  }
0x40: {  	_ =	shalt  }
0x41: {  	_ =	shalt  }
0x42: {  	_ =	shalt  }
0x43: {  	_ =	shalt  }
0x44: {  	_ =	shalt  }
0x45: {  	_ =	shalt  }
0x46: {  	_ =	shalt  }
0x47: {  	_ =	shalt  }
0x48: {  	_ =	shalt  }
0x49: {  	_ =	shalt  }
0x4a: {  	_ =	shalt  }
0x4b: {  	_ =	shalt  }
0x4c: {  	_ =	shalt  }
0x4d: {  	_ =	shalt  }
0x4e: {  	_ =	shalt  }
0x4f: {  	_ =	shalt  }
0x50: {  	_ =	shalt  }
0x51: {  	_ =	shalt  }
0x52: {  	_ =	shalt  }
0x53: {  	_ =	shalt  }
0x54: {  	_ =	shalt  }
0x55: {  	_ =	shalt  }
0x56: {  	_ =	shalt  }
0x57: {  	_ =	shalt  }
0x58: {  	_ =	shalt  }
0x59: {  	_ =	shalt  }
0x5a: {  	_ =	shalt  }
0x5b: {  	_ =	shalt  }
0x5c: {  	_ =	shalt  }
0x5d: {  	_ =	shalt  }
0x5e: {  	_ =	shalt  }
0x5f: {  	_ =	shalt  }
0x60: {  	_ =	shalt  }
0x61: {  	_ =	shalt  }
0x62: {  	_ =	shalt  }
0x63: {  	_ =	shalt  }
0x64: {  	_ =	shalt  }
0x65: {  	_ =	shalt  }
0x66: {  	_ =	shalt  }
0x67: {  	_ =	shalt  }
0x68: {  	_ =	shalt  }
0x69: {  	_ =	shalt  }
0x6a: {  	_ =	shalt  }
0x6b: {  	_ =	shalt  }
0x6c: {  	_ =	shalt  }
0x6d: {  	_ =	shalt  }
0x6e: {  	_ =	shalt  }
0x6f: {  	_ =	shalt  }
0x70: {  	_ =	shalt  }
0x71: {  	_ =	shalt  }
0x72: {  	_ =	shalt  }
0x73: {  	_ =	shalt  }
0x74: {  	_ =	shalt  }
0x75: {  	_ =	shalt  }
0x76: {  	_ =	shalt  }
0x77: {  	_ =	shalt  }
0x78: {  	_ =	shalt  }
0x79: {  	_ =	shalt  }
0x7a: {  	_ =	shalt  }
0x7b: {  	_ =	shalt  }
0x7c: {  	_ =	shalt  }
0x7d: {  	_ =	shalt  }
0x7e: {  	_ =	shalt  }
0x7f: {  	_ =	shalt  }
0x80: {  	_ =	shalt  }
0x81: {  	_ =	shalt  }
0x82: {  	_ =	shalt  }
0x83: {  	_ =	shalt  }
0x84: {  	_ =	shalt  }
0x85: {  	_ =	shalt  }
0x86: {  	_ =	shalt  }
0x87: {  	_ =	shalt  }
.Lfunc_end0:
.L_simem_size_0:
called_computation_lowered:
.L_overlay_start_0:
0x88: {  	s2 =	sld [smem:$0x3FD9]  }
0x89: {  	s3 =	sld [smem:$0x3FFE];
	_ =	sdelay $0x1  }
0x8a: {  	s1 =	srdreg.scid  }
0x8b: {  	s0 =	sand.u32 $0x1, s1  }
0x8c: {  	s17 =	sshll.u32 s0, $0xA;
	s2 =	sadd.s32 s3, s2  }
0x8d: {  	s2 =	sadd.s32 s2, s17  }
0x8e: {  	[smem:$0x3FC6] =	sst s2  }
0x8f: {  	_ = 	snop  }
0x90: {  	s2 =	sld [smem:$0x3FD0];
	(tm) =	ssettm $0x1  }
0x91: {  	s18 =	sld [smem:$0x3FFB];
	_ =	sdelay $0x3  }
0x92: {  	_ =	strace s18  }
0x93: {  	s3 =	sld [smem:$0x3FFC];
	_ =	sdelay $0x3  }
0x94: {  	_ =	strace s3  }
0x95: {  	s3 =	sld [smem:$0x3FFD];
	_ =	sdelay $0x3  }
0x96: {  	_ =	strace s3  }
0x97: {  	_ =	strace $0x8FFFFFFF  }
0x98: {  	s19 =	sld [smem:$0x3FDB];
	_ =	sdelay $0x1  }
0x99: {  	s4 =	simm.s32 $_scs_section_size  }
0x9a: {  	s5 =	simm.s32 $_size__tile_overlayer_lowered;
	s6 =	simm.s32 $_tile_overlayer_lowered  }
0x9b: {  	s22 =	simm.s32 $0x1BFF;
	s21 =	sshll.u32 s6, $0x1;
	s3 =	sadd.s32 s4, s19  }
0x9c: {  	s7 =	simm.s32 $0x0;
	s20 =	sshll.u32 s5, $0x1;
	s5 =	sadd.s32 s21, s3  }
0x9d: {  	[timem:s7], [sflag:s22] =	dma.local [hbm:s5], s20  }
0x9e: {  	_ =	swait.ge [sflag:s22], s20  }
0x9f: {  	s4 =	ssub.s32 $0x0, s20;
	[sflag:s22] =	ssyncset.done $0x0  }
0xa0: {  	[sflag:s22] =	ssyncadd.s32 s4;
	_ =	sdelay $0x1  }
0xa1: {  	s23 =	simm.s32 $0x1B8B  }
0xa2: {  	_ =	swait.ge [sflag:s23], $0x1  }
0xa3: {  	[sflag:s23] =	ssyncset.done $0x0  }
0xa4: {  	s25 =	simm.s32 $0x1B8E;
	s24 =	sld [smem:$0x3FFE];
	[sflag:s23] =	ssyncadd.s32 $0xFFFFFFFF  }
0xa5: {  	s26 =	simm.s32 $execute0_lowered;
	[smem:$0x3FD2] =	sst s25  }
0xa6: {  	s5 =	sshll.u32 s26, $0x1;
	_ =	strace $0x80000046;
	[dreg:$0x1] =	wrdreg $0xFFFFFFFF  }
0xa7: {  	s28 =	simm.s32 $_size_execute0_lowered;
	s3 =	sadd.s32 s3, s5;
	[dreg:$0x0] =	wrdreg $0x0  }
0xa8: {  	s5 =	sshll.u32 s28, $0x1;
	[dreg:$0x2] =	wrdreg s3  }
0xa9: {  	[dreg:$0x3] =	wrdreg s5  }
0xaa: {  	[dreg:$0x4] =	wrdreg $0xC0  }
0xab: {  	_ =	task [dreg:s7], $0x5FFFF  }
0xac: {  	[dreg:$0x1] =	wrdreg $0xFFFFFFFF  }
0xad: {  	[dreg:$0x0] =	wrdreg $0x60  }
0xae: {  	[dreg:$0x2] =	wrdreg s2  }
0xaf: {  	[dreg:$0x3] =	wrdreg s24  }
0xb0: {  	[dreg:$0x4] =	wrdreg $0x9  }
0xb1: {  	_ =	task.clear_ibuf [dreg:s7], $0x5FFFF;
	_ =	strace $0x90000046  }
0xb2: {  	s29 =	simm.s32 $0x9;
	_ =	strace $0x80000048  }
0xb3: {  	_ =	swait.ge [sflag:s29], $0x1  }
0xb4: {  	[sflag:s29] =	ssyncadd.s32 $0xFFFFFFFF  }
0xb5: {  	_ =	strace $0x90000048  }
0xb6: {  	_ =	sfence  }
0xb7: {  	s30 =	sld [smem:$0x0];
	_ =	sdelay $0x2  }
0xb8: {  	s31 =	sshll.u32 s1, $0xD;
	s1 =	sshrl.u32 s1, $0x2  }
0xb9: {  	s3 =	sand.u32 $0x4000, s31;
	s1 =	sadd.s32 s1, s30  }
0xba: {  	s0 =	sor.u32 s3, s0;
	s1 =	sshll.u32 s1, $0x11  }
0xbb: {  	s0 =	sor.u32 s1, s0  }
0xbc: {  	s0 =	sadd.s32 $0x8F2B, s0  }
0xbd: {  	[sflag:s0] =	ssyncadd.remote.s32 $0x1  }
0xbe: {  	_ =	sfence.sel $0xFFFF  }
0xbf: {  	[dreg:$0x0] =	wrdreg $0xFFFFFFFF;
	(pc) =	sbr.abs _section_cstart, $3  }
0xc0: {  	[dreg:$0x1] =	wrdreg $0xFFFFFFFF  }
0xc1: {  	_ =	task.clear_ibuf [dreg:s7], $0x2FFFF;
	_ =	strace $0x9FFFFFFF  }
0xc2: {  	(tm) =	ssettm $0x7FFFFFFF  }
0xc3: {  	_ =	shalt  }
tec
execute0_lowered:
.L_overlay_start_1:
0x0: {  	(tag) =	ssettag $0x1  }
0x1: {  	s4 =	rddreg [dreg:$0x0];
	s1 =	srdreg.scid  }
0x2: {  	s0 =	stileid.u32;
	s5 =	rddreg [dreg:$0x1];
	s2 =	simm.s32 $0x0  }
0x3: {  	s9 =	simm.s32 $0x500;
	s3 =	sand.u32 $0x1, s1;
	s6 =	sshll.u32 s0, $0x1  }
0x4: {  	s1 =	rddreg [dreg:$0x2];
	s6 =	sor.u32 s3, s6;
	s7 =	ssub.s32 $0x2, s3  }
0x5: {  	[smem:$0x7FF] =	sst s2;
	s6 =	smul.u32 $0x98, s6;
	s8 =	sshrl.u32 s7, $0x1  }
0x6: {  	_ =	strace $0x80000047;
	s3 =	sadd.s32 $0x600, s5;
	s7 =	ssub.s32 s7, s8  }
0x7: {  	s8 =	simm.s32 $0x1;
	s5 =	sadd.s32 s6, s5;
	s4 =	sadd.s32 s4, s6  }
0x8: {  	s6 =	smax.u32 s7, $0x1;
	s7 =	simm.s32 $0xA00;
	s5 =	sadd.s32 $0x800, s5  }
.LBB2_1:
0x9: {  	[tilespmem:s7], [sflag:$0x1] =	stream.linear.gather [hbm4b:s3+s2], $0xB00, $0x38;
	[tilespmem:$0x1500] =	vst v63  }
0xa: {  	_ =	swait.ge [sflag:s8], $0xB00  }
0xb: {  	[sflag:s8] =	ssyncset.done $0x0  }
0xc: {  	[sflag:s8] =	ssyncadd.s32 $0xFFFFF500  }
0xd: {  	[tilespmem:s2], [sflag:$0x1] =	stream.linear.gather [hbm4b:s4+s2], $0x4C0, $0x38;
	[tilespmem:$0x1500] =	vst v63  }
0xe: {  	_ =	swait.ge [sflag:s8], $0x4C0  }
0xf: {  	[sflag:s8] =	ssyncset.done $0x0  }
0x10: {  	[sflag:s8] =	ssyncadd.s32 $0xFFFFFB40  }
0x11: {  	v0 =	vld [tilespmem:$0x0];
	_ =	sdelay $0x5  }
0x12: {  	v1 =	vld [tilespmem:$0x10];
	_ =	sdelay $0x1  }
0x13: {  	v0 =	vld.idx.msk [tilespmem:v0+s7+$0x0], $0xffff;
	_ =	sdelay $0x3  }
0x14: {  	v2 =	vld [tilespmem:$0x20]  }
0x15: {  	[tilespmem:$0x500] =	vst v0  }
0x16: {  	v0 =	vld.idx.msk [tilespmem:v1+s7+$0x0], $0xffff;
	_ =	sdelay $0x3  }
0x17: {  	v51 =	vld [tilespmem:$0x30]  }
0x18: {  	[tilespmem:$0x510] =	vst v0  }
0x19: {  	v0 =	vld.idx.msk [tilespmem:v2+s7+$0x0], $0xffff;
	_ =	sdelay $0x3  }
0x1a: {  	v52 =	vld [tilespmem:$0x40]  }
0x1b: {  	[tilespmem:$0x520] =	vst v0  }
0x1c: {  	v0 =	vld.idx.msk [tilespmem:v51+s7+$0x0], $0xffff;
	_ =	sdelay $0x3  }
0x1d: {  	v53 =	vld [tilespmem:$0x50]  }
0x1e: {  	[tilespmem:$0x530] =	vst v0  }
0x1f: {  	v0 =	vld.idx.msk [tilespmem:v52+s7+$0x0], $0xffff;
	_ =	sdelay $0x3  }
0x20: {  	v54 =	vld [tilespmem:$0x60]  }
0x21: {  	[tilespmem:$0x540] =	vst v0  }
0x22: {  	v0 =	vld.idx.msk [tilespmem:v53+s7+$0x0], $0xffff;
	_ =	sdelay $0x3  }
0x23: {  	v55 =	vld [tilespmem:$0x70]  }
0x24: {  	[tilespmem:$0x550] =	vst v0  }
0x25: {  	v0 =	vld.idx.msk [tilespmem:v54+s7+$0x0], $0xffff;
	_ =	sdelay $0x3  }
0x26: {  	v56 =	vld [tilespmem:$0x80]  }
0x27: {  	[tilespmem:$0x560] =	vst v0  }
0x28: {  	v0 =	vld.idx.msk [tilespmem:v55+s7+$0x0], $0xffff;
	_ =	sdelay $0x3  }
0x29: {  	v57 =	vld [tilespmem:$0x90]  }
0x2a: {  	[tilespmem:$0x570] =	vst v0  }
0x2b: {  	v0 =	vld.idx.msk [tilespmem:v56+s7+$0x0], $0xffff;
	_ =	sdelay $0x3  }
0x2c: {  	v58 =	vld [tilespmem:$0xA0]  }
0x2d: {  	[tilespmem:$0x580] =	vst v0  }
0x2e: {  	v0 =	vld.idx.msk [tilespmem:v57+s7+$0x0], $0xffff;
	_ =	sdelay $0x3  }
0x2f: {  	v59 =	vld [tilespmem:$0xB0]  }
0x30: {  	[tilespmem:$0x590] =	vst v0  }
0x31: {  	v0 =	vld.idx.msk [tilespmem:v58+s7+$0x0], $0xffff;
	_ =	sdelay $0x3  }
0x32: {  	v60 =	vld [tilespmem:$0xC0]  }
0x33: {  	[tilespmem:$0x5A0] =	vst v0  }
0x34: {  	v0 =	vld.idx.msk [tilespmem:v59+s7+$0x0], $0xffff;
	_ =	sdelay $0x3  }
0x35: {  	v61 =	vld [tilespmem:$0xD0]  }
0x36: {  	[tilespmem:$0x5B0] =	vst v0  }
0x37: {  	v0 =	vld.idx.msk [tilespmem:v60+s7+$0x0], $0xffff;
	_ =	sdelay $0x3  }
0x38: {  	v62 =	vld [tilespmem:$0xE0]  }
0x39: {  	[tilespmem:$0x5C0] =	vst v0  }
0x3a: {  	v0 =	vld.idx.msk [tilespmem:v61+s7+$0x0], $0xffff;
	_ =	sdelay $0x3  }
0x3b: {  	v63 =	vld [tilespmem:$0xF0]  }
0x3c: {  	[tilespmem:$0x5D0] =	vst v0  }
0x3d: {  	v0 =	vld.idx.msk [tilespmem:v62+s7+$0x0], $0xffff;
	_ =	sdelay $0x3  }
0x3e: {  	v4 =	vld [tilespmem:$0x100]  }
0x3f: {  	[tilespmem:$0x5E0] =	vst v0  }
0x40: {  	v0 =	vld.idx.msk [tilespmem:v63+s7+$0x0], $0xffff;
	_ =	sdelay $0x3  }
0x41: {  	v5 =	vld [tilespmem:$0x110]  }
0x42: {  	[tilespmem:$0x5F0] =	vst v0  }
0x43: {  	v0 =	vld.idx.msk [tilespmem:v4+s7+$0x0], $0xffff;
	_ =	sdelay $0x3  }
0x44: {  	v6 =	vld [tilespmem:$0x120]  }
0x45: {  	[tilespmem:$0x600] =	vst v0  }
0x46: {  	v0 =	vld.idx.msk [tilespmem:v5+s7+$0x0], $0xffff;
	_ =	sdelay $0x3  }
0x47: {  	v7 =	vld [tilespmem:$0x130]  }
0x48: {  	[tilespmem:$0x610] =	vst v0  }
0x49: {  	v0 =	vld.idx.msk [tilespmem:v6+s7+$0x0], $0xffff;
	_ =	sdelay $0x3  }
0x4a: {  	v8 =	vld [tilespmem:$0x140]  }
0x4b: {  	[tilespmem:$0x620] =	vst v0  }
0x4c: {  	v0 =	vld.idx.msk [tilespmem:v7+s7+$0x0], $0xffff;
	_ =	sdelay $0x3  }
0x4d: {  	v9 =	vld [tilespmem:$0x150]  }
0x4e: {  	[tilespmem:$0x630] =	vst v0  }
0x4f: {  	v0 =	vld.idx.msk [tilespmem:v8+s7+$0x0], $0xffff;
	_ =	sdelay $0x3  }
0x50: {  	v10 =	vld [tilespmem:$0x160]  }
0x51: {  	[tilespmem:$0x640] =	vst v0  }
0x52: {  	v0 =	vld.idx.msk [tilespmem:v9+s7+$0x0], $0xffff;
	_ =	sdelay $0x3  }
0x53: {  	v11 =	vld [tilespmem:$0x170]  }
0x54: {  	[tilespmem:$0x650] =	vst v0  }
0x55: {  	v0 =	vld.idx.msk [tilespmem:v10+s7+$0x0], $0xffff;
	_ =	sdelay $0x3  }
0x56: {  	v12 =	vld [tilespmem:$0x180]  }
0x57: {  	[tilespmem:$0x660] =	vst v0  }
0x58: {  	v0 =	vld.idx.msk [tilespmem:v11+s7+$0x0], $0xffff;
	_ =	sdelay $0x3  }
0x59: {  	v13 =	vld [tilespmem:$0x190]  }
0x5a: {  	[tilespmem:$0x670] =	vst v0  }
0x5b: {  	v0 =	vld.idx.msk [tilespmem:v12+s7+$0x0], $0xffff;
	_ =	sdelay $0x3  }
0x5c: {  	v14 =	vld [tilespmem:$0x1A0]  }
0x5d: {  	[tilespmem:$0x680] =	vst v0  }
0x5e: {  	v0 =	vld.idx.msk [tilespmem:v13+s7+$0x0], $0xffff;
	_ =	sdelay $0x3  }
0x5f: {  	v15 =	vld [tilespmem:$0x1B0]  }
0x60: {  	[tilespmem:$0x690] =	vst v0  }
0x61: {  	v0 =	vld.idx.msk [tilespmem:v14+s7+$0x0], $0xffff;
	_ =	sdelay $0x3  }
0x62: {  	v16 =	vld [tilespmem:$0x1C0]  }
0x63: {  	[tilespmem:$0x6A0] =	vst v0  }
0x64: {  	v0 =	vld.idx.msk [tilespmem:v15+s7+$0x0], $0xffff;
	_ =	sdelay $0x3  }
0x65: {  	v17 =	vld [tilespmem:$0x1D0]  }
0x66: {  	[tilespmem:$0x6B0] =	vst v0  }
0x67: {  	v0 =	vld.idx.msk [tilespmem:v16+s7+$0x0], $0xffff;
	_ =	sdelay $0x3  }
0x68: {  	v18 =	vld [tilespmem:$0x1E0]  }
0x69: {  	[tilespmem:$0x6C0] =	vst v0  }
0x6a: {  	v0 =	vld.idx.msk [tilespmem:v17+s7+$0x0], $0xffff;
	_ =	sdelay $0x3  }
0x6b: {  	v19 =	vld [tilespmem:$0x1F0]  }
0x6c: {  	[tilespmem:$0x6D0] =	vst v0  }
0x6d: {  	v0 =	vld.idx.msk [tilespmem:v18+s7+$0x0], $0xffff;
	_ =	sdelay $0x3  }
0x6e: {  	v20 =	vld [tilespmem:$0x200]  }
0x6f: {  	[tilespmem:$0x6E0] =	vst v0  }
0x70: {  	v0 =	vld.idx.msk [tilespmem:v19+s7+$0x0], $0xffff;
	_ =	sdelay $0x3  }
0x71: {  	v21 =	vld [tilespmem:$0x210]  }
0x72: {  	[tilespmem:$0x6F0] =	vst v0  }
0x73: {  	v0 =	vld.idx.msk [tilespmem:v20+s7+$0x0], $0xffff;
	_ =	sdelay $0x3  }
0x74: {  	v22 =	vld [tilespmem:$0x220]  }
0x75: {  	[tilespmem:$0x700] =	vst v0  }
0x76: {  	v0 =	vld.idx.msk [tilespmem:v21+s7+$0x0], $0xffff;
	_ =	sdelay $0x3  }
0x77: {  	v23 =	vld [tilespmem:$0x230]  }
0x78: {  	[tilespmem:$0x710] =	vst v0  }
0x79: {  	v0 =	vld.idx.msk [tilespmem:v22+s7+$0x0], $0xffff;
	_ =	sdelay $0x3  }
0x7a: {  	v24 =	vld [tilespmem:$0x240]  }
0x7b: {  	[tilespmem:$0x720] =	vst v0  }
0x7c: {  	v0 =	vld.idx.msk [tilespmem:v23+s7+$0x0], $0xffff;
	_ =	sdelay $0x3  }
0x7d: {  	v25 =	vld [tilespmem:$0x250]  }
0x7e: {  	[tilespmem:$0x730] =	vst v0  }
0x7f: {  	v0 =	vld.idx.msk [tilespmem:v24+s7+$0x0], $0xffff;
	_ =	sdelay $0x3  }
0x80: {  	v26 =	vld [tilespmem:$0x260]  }
0x81: {  	[tilespmem:$0x740] =	vst v0  }
0x82: {  	v0 =	vld.idx.msk [tilespmem:v25+s7+$0x0], $0xffff;
	_ =	sdelay $0x3  }
0x83: {  	v27 =	vld [tilespmem:$0x270]  }
0x84: {  	[tilespmem:$0x750] =	vst v0  }
0x85: {  	v0 =	vld.idx.msk [tilespmem:v26+s7+$0x0], $0xffff;
	_ =	sdelay $0x3  }
0x86: {  	v28 =	vld [tilespmem:$0x280]  }
0x87: {  	[tilespmem:$0x760] =	vst v0  }
0x88: {  	v0 =	vld.idx.msk [tilespmem:v27+s7+$0x0], $0xffff;
	_ =	sdelay $0x3  }
0x89: {  	v29 =	vld [tilespmem:$0x290]  }
0x8a: {  	[tilespmem:$0x770] =	vst v0  }
0x8b: {  	v0 =	vld.idx.msk [tilespmem:v28+s7+$0x0], $0xffff;
	_ =	sdelay $0x3  }
0x8c: {  	v30 =	vld [tilespmem:$0x2A0]  }
0x8d: {  	[tilespmem:$0x780] =	vst v0  }
0x8e: {  	v0 =	vld.idx.msk [tilespmem:v29+s7+$0x0], $0xffff;
	_ =	sdelay $0x3  }
0x8f: {  	v31 =	vld [tilespmem:$0x2B0]  }
0x90: {  	[tilespmem:$0x790] =	vst v0  }
0x91: {  	v0 =	vld.idx.msk [tilespmem:v30+s7+$0x0], $0xffff;
	_ =	sdelay $0x3  }
0x92: {  	v32 =	vld [tilespmem:$0x2C0]  }
0x93: {  	[tilespmem:$0x7A0] =	vst v0  }
0x94: {  	v0 =	vld.idx.msk [tilespmem:v31+s7+$0x0], $0xffff;
	_ =	sdelay $0x3  }
0x95: {  	v33 =	vld [tilespmem:$0x2D0]  }
0x96: {  	[tilespmem:$0x7B0] =	vst v0  }
0x97: {  	v0 =	vld.idx.msk [tilespmem:v32+s7+$0x0], $0xffff;
	_ =	sdelay $0x3  }
0x98: {  	v34 =	vld [tilespmem:$0x2E0]  }
0x99: {  	[tilespmem:$0x7C0] =	vst v0  }
0x9a: {  	v0 =	vld.idx.msk [tilespmem:v33+s7+$0x0], $0xffff;
	_ =	sdelay $0x3  }
0x9b: {  	v35 =	vld [tilespmem:$0x2F0]  }
0x9c: {  	[tilespmem:$0x7D0] =	vst v0  }
0x9d: {  	v0 =	vld.idx.msk [tilespmem:v34+s7+$0x0], $0xffff;
	_ =	sdelay $0x3  }
0x9e: {  	v36 =	vld [tilespmem:$0x300]  }
0x9f: {  	[tilespmem:$0x7E0] =	vst v0  }
0xa0: {  	v0 =	vld.idx.msk [tilespmem:v35+s7+$0x0], $0xffff;
	_ =	sdelay $0x3  }
0xa1: {  	v37 =	vld [tilespmem:$0x310]  }
0xa2: {  	[tilespmem:$0x7F0] =	vst v0  }
0xa3: {  	v0 =	vld.idx.msk [tilespmem:v36+s7+$0x0], $0xffff;
	_ =	sdelay $0x3  }
0xa4: {  	v38 =	vld [tilespmem:$0x320]  }
0xa5: {  	[tilespmem:$0x800] =	vst v0  }
0xa6: {  	v0 =	vld.idx.msk [tilespmem:v37+s7+$0x0], $0xffff;
	_ =	sdelay $0x3  }
0xa7: {  	v39 =	vld [tilespmem:$0x330]  }
0xa8: {  	[tilespmem:$0x810] =	vst v0  }
0xa9: {  	v0 =	vld.idx.msk [tilespmem:v38+s7+$0x0], $0xffff;
	_ =	sdelay $0x3  }
0xaa: {  	v40 =	vld [tilespmem:$0x340]  }
0xab: {  	[tilespmem:$0x820] =	vst v0  }
0xac: {  	v0 =	vld.idx.msk [tilespmem:v39+s7+$0x0], $0xffff;
	_ =	sdelay $0x3  }
0xad: {  	v41 =	vld [tilespmem:$0x350]  }
0xae: {  	[tilespmem:$0x830] =	vst v0  }
0xaf: {  	v0 =	vld.idx.msk [tilespmem:v40+s7+$0x0], $0xffff;
	_ =	sdelay $0x3  }
0xb0: {  	v42 =	vld [tilespmem:$0x360]  }
0xb1: {  	[tilespmem:$0x840] =	vst v0  }
0xb2: {  	v0 =	vld.idx.msk [tilespmem:v41+s7+$0x0], $0xffff;
	_ =	sdelay $0x3  }
0xb3: {  	v43 =	vld [tilespmem:$0x370]  }
0xb4: {  	[tilespmem:$0x850] =	vst v0  }
0xb5: {  	v0 =	vld.idx.msk [tilespmem:v42+s7+$0x0], $0xffff;
	_ =	sdelay $0x3  }
0xb6: {  	v44 =	vld [tilespmem:$0x380]  }
0xb7: {  	[tilespmem:$0x860] =	vst v0  }
0xb8: {  	v0 =	vld.idx.msk [tilespmem:v43+s7+$0x0], $0xffff;
	_ =	sdelay $0x3  }
0xb9: {  	v45 =	vld [tilespmem:$0x390]  }
0xba: {  	[tilespmem:$0x870] =	vst v0  }
0xbb: {  	v0 =	vld.idx.msk [tilespmem:v44+s7+$0x0], $0xffff;
	_ =	sdelay $0x3  }
0xbc: {  	v46 =	vld [tilespmem:$0x3A0]  }
0xbd: {  	[tilespmem:$0x880] =	vst v0  }
0xbe: {  	v0 =	vld.idx.msk [tilespmem:v45+s7+$0x0], $0xffff;
	_ =	sdelay $0x3  }
0xbf: {  	v47 =	vld [tilespmem:$0x3B0]  }
0xc0: {  	[tilespmem:$0x890] =	vst v0  }
0xc1: {  	v0 =	vld.idx.msk [tilespmem:v46+s7+$0x0], $0xffff;
	_ =	sdelay $0x3  }
0xc2: {  	v48 =	vld [tilespmem:$0x3C0]  }
0xc3: {  	[tilespmem:$0x8A0] =	vst v0  }
0xc4: {  	v0 =	vld.idx.msk [tilespmem:v47+s7+$0x0], $0xffff;
	_ =	sdelay $0x3  }
0xc5: {  	v49 =	vld [tilespmem:$0x3D0]  }
0xc6: {  	[tilespmem:$0x8B0] =	vst v0  }
0xc7: {  	v0 =	vld.idx.msk [tilespmem:v48+s7+$0x0], $0xffff;
	_ =	sdelay $0x3  }
0xc8: {  	v50 =	vld [tilespmem:$0x3E0]  }
0xc9: {  	[tilespmem:$0x8C0] =	vst v0  }
0xca: {  	v0 =	vld.idx.msk [tilespmem:v49+s7+$0x0], $0xffff;
	_ =	sdelay $0x3  }
0xcb: {  	v51 =	vld [tilespmem:$0x3F0]  }
0xcc: {  	[tilespmem:$0x8D0] =	vst v0  }
0xcd: {  	v0 =	vld.idx.msk [tilespmem:v50+s7+$0x0], $0xffff;
	_ =	sdelay $0x3  }
0xce: {  	v52 =	vld [tilespmem:$0x400]  }
0xcf: {  	[tilespmem:$0x8E0] =	vst v0  }
0xd0: {  	v0 =	vld.idx.msk [tilespmem:v51+s7+$0x0], $0xffff;
	_ =	sdelay $0x3  }
0xd1: {  	v53 =	vld [tilespmem:$0x410]  }
0xd2: {  	[tilespmem:$0x8F0] =	vst v0  }
0xd3: {  	v0 =	vld.idx.msk [tilespmem:v52+s7+$0x0], $0xffff;
	_ =	sdelay $0x3  }
0xd4: {  	v54 =	vld [tilespmem:$0x420]  }
0xd5: {  	[tilespmem:$0x900] =	vst v0  }
0xd6: {  	v0 =	vld.idx.msk [tilespmem:v53+s7+$0x0], $0xffff;
	_ =	sdelay $0x3  }
0xd7: {  	v55 =	vld [tilespmem:$0x430]  }
0xd8: {  	[tilespmem:$0x910] =	vst v0  }
0xd9: {  	v0 =	vld.idx.msk [tilespmem:v54+s7+$0x0], $0xffff;
	_ =	sdelay $0x3  }
0xda: {  	v56 =	vld [tilespmem:$0x440]  }
0xdb: {  	[tilespmem:$0x920] =	vst v0  }
0xdc: {  	v0 =	vld.idx.msk [tilespmem:v55+s7+$0x0], $0xffff;
	_ =	sdelay $0x3  }
0xdd: {  	v57 =	vld [tilespmem:$0x450]  }
0xde: {  	[tilespmem:$0x930] =	vst v0  }
0xdf: {  	v0 =	vld.idx.msk [tilespmem:v56+s7+$0x0], $0xffff;
	_ =	sdelay $0x3  }
0xe0: {  	v58 =	vld [tilespmem:$0x460]  }
0xe1: {  	[tilespmem:$0x940] =	vst v0  }
0xe2: {  	v0 =	vld.idx.msk [tilespmem:v57+s7+$0x0], $0xffff;
	_ =	sdelay $0x3  }
0xe3: {  	v59 =	vld [tilespmem:$0x470]  }
0xe4: {  	[tilespmem:$0x950] =	vst v0  }
0xe5: {  	v0 =	vld.idx.msk [tilespmem:v58+s7+$0x0], $0xffff;
	_ =	sdelay $0x3  }
0xe6: {  	v60 =	vld [tilespmem:$0x480]  }
0xe7: {  	[tilespmem:$0x960] =	vst v0  }
0xe8: {  	v0 =	vld.idx.msk [tilespmem:v59+s7+$0x0], $0xffff;
	_ =	sdelay $0x3  }
0xe9: {  	v61 =	vld [tilespmem:$0x490]  }
0xea: {  	[tilespmem:$0x970] =	vst v0  }
0xeb: {  	v0 =	vld.idx.msk [tilespmem:v60+s7+$0x0], $0xffff;
	_ =	sdelay $0x3  }
0xec: {  	v62 =	vld [tilespmem:$0x4A0]  }
0xed: {  	[tilespmem:$0x980] =	vst v0  }
0xee: {  	v0 =	vld.idx.msk [tilespmem:v61+s7+$0x0], $0xffff;
	_ =	sdelay $0x3  }
0xef: {  	v63 =	vld [tilespmem:$0x4B0]  }
0xf0: {  	[tilespmem:$0x990] =	vst v0  }
0xf1: {  	v0 =	vld.idx.msk [tilespmem:v62+s7+$0x0], $0xffff;
	_ =	sdelay $0x4  }
0xf2: {  	[tilespmem:$0x9A0] =	vst v0  }
0xf3: {  	v0 =	vld.idx.msk [tilespmem:v63+s7+$0x0], $0xffff;
	_ =	sdelay $0x3  }
0xf4: {  	p0 =	sne.s32 s6, $0x1  }
.Ltmp0:
0xf5: {  	[tilespmem:$0x9B0] =	vst v0;
	(pc) =	sbr.rel @p0 .LBB2_1-.Ltmp0, $4  }
0xf6: {  	[hbm4b:s5+s2] =	stream.linear.scatter [tilespmem:s9], [sflag:$0x1], $0x4C0, $0x38;
	[tilespmem:$0x1500] =	vst v63  }
0xf7: {  	_ =	swait.ge [sflag:s8], $0x4C0  }
0xf8: {  	[sflag:s8] =	ssyncset.done $0x0  }
0xf9: {  	s6 =	sadd.s32 $0xFFFFFFFF, s6;
	[sflag:s8] =	ssyncadd.s32 $0xFFFFFB40  }
0xfa: {  	_ =	sfence.sel $0x180000  }
0xfb: {  	[bflag:$0x0] =	sbarrier.arrive $0xFFFF  }
0xfc: {  	p0 =	sne.s32 s0, $0x0;
	_ =	strace $0x90000047  }
0xfd: {  	s0 =	sadd.s32 @!p0 $0x100000, s1;
	[bflag:$0x2] =	sbarrier.arrive $0xFFFF  }
0xfe: {  	[sflag:s0] =	ssyncadd.tile.s32 @!p0 $0x1;
	_ =	shalt  }
.Lfunc_end2:
_tile_overlayer_lowered:
.L_overlay_start_2:
0xff: {  	(tag) =	ssettag $0x2  }
0x100: {  	s0 =	rddreg [dreg:$0x0];
	s2 =	stileid.u32  }
0x101: {  	s1 =	rddreg [dreg:$0x1];
	p0 =	sne.s32 s2, $0x0  }
0x102: {  	s3 =	rddreg [dreg:$0x2];
	[bflag:$0x3] =	sbarrier.arrive $0xFFFF;
	s2 =	simm.s32 @!p0 $0x1C01  }
0x103: {  	[timem:s3], [sflag:s2] =	dma.local @!p0 [hbm:s0], s1  }
0x104: {  	s0 =	simm.s32 @!p0 $0x1  }
0x105: {  	_ =	swait.ge @!p0 [sflag:s0], s1  }
0x106: {  	s1 =	ssub.s32 @!p0 $0x0, s1;
	[sflag:s0] =	ssyncset.done @!p0 $0x0  }
0x107: {  	[sflag:s0] =	ssyncadd.s32 @!p0 s1  }
0x108: {  	[bflag:$0x3] =	sbarrier.arrive $0xFFFF  }
0x109: {  	_ =	shalt  }

</sc_bundles>
